<compile_context>
chip_gen: v7x
topology: tpu7x:2x2x1
jax: 0.10.2.dev20260603
libtpu: 0.0.44.dev20260713+nightly
codegen_flags: <defaults>
</compile_context>

<pallas_src>
import functools

import jax
import jax.numpy as jnp
from jax import lax
from jax.experimental import pallas as pl
from jax.experimental.pallas import tpu as pltpu
from jax.experimental.pallas import tpu_sc as plsc

VOCAB = 151936
D_MODEL = 2048
NUM_TOKENS = 4 * 2048

_NC = 2
_NS = 16
_NW = _NC * _NS

_B_PER_W = NUM_TOKENS // _NW
_CHUNK = 8
_NBUF = 4
_AHEAD = 3
_N_CHUNKS = _B_PER_W // _CHUNK


def _gather_body(ids_hbm, table_hbm, out_hbm, idx_v, rows_v, *sems):
    gsems = sems[:_NBUF]
    ssems = sems[_NBUF:]
    wid = lax.axis_index("s") * _NC + lax.axis_index("c")
    base = wid * _B_PER_W
    pltpu.sync_copy(ids_hbm.at[wid], idx_v)

    def start_gather(i, b):
        pltpu.async_copy(table_hbm.at[idx_v.at[i]], rows_v.at[b], gsems[b])

    def wait_gather(b):
        pltpu.make_async_copy(
            table_hbm.at[pl.ds(0, _CHUNK)], rows_v.at[b], gsems[b]).wait()

    def start_scatter(i, b):
        pltpu.async_copy(
            rows_v.at[b], out_hbm.at[pl.ds(base + i * _CHUNK, _CHUNK)],
            ssems[b])

    def wait_scatter(b):
        pltpu.make_async_copy(
            rows_v.at[b], out_hbm.at[pl.ds(base, _CHUNK)], ssems[b]).wait()

    for j in range(_AHEAD):
        start_gather(j, j % _NBUF)

    def ring(g):
        for b0 in range(_NBUF):
            i = g + b0
            b = b0
            nb = (b0 + _AHEAD) % _NBUF

            @pl.when(i >= _NBUF - _AHEAD)
            def _():
                wait_scatter(nb)

            @pl.when(i + _AHEAD < _N_CHUNKS)
            def _():
                start_gather(i + _AHEAD, nb)

            wait_gather(b)
            start_scatter(i, b)

    pl.loop(0, _N_CHUNKS, step=_NBUF)(ring)

    for j in range(_NBUF - _AHEAD):
        wait_scatter((_N_CHUNKS - 1 - j) % _NBUF)


@functools.partial(
    pl.kernel,
    out_type=jax.ShapeDtypeStruct((NUM_TOKENS, D_MODEL), jnp.float32),
    mesh=plsc.VectorSubcoreMesh(core_axis_name="c", subcore_axis_name="s"),
    scratch_types=[
        pltpu.VMEM((_N_CHUNKS, _CHUNK), jnp.int32),
        pltpu.VMEM((_NBUF, _CHUNK, D_MODEL), jnp.float32),
    ] + [pltpu.SemaphoreType.DMA] * (2 * _NBUF),
)
def _sc_gather(ids_hbm, table_hbm, out_hbm, idx_v, rows_v, *sems):
    _gather_body(ids_hbm, table_hbm, out_hbm, idx_v, rows_v, *sems)


def kernel(input_ids, embed_table):
    ids_flat = jnp.reshape(input_ids, (_NW, _N_CHUNKS, _CHUNK)).astype(
        jnp.int32)
    out = _sc_gather(ids_flat, embed_table)
    return jnp.reshape(out, (*input_ids.shape, D_MODEL))

# --- scband reference (transcript-rebuilt; emitter-appended) ---
"""Pipeline reference for scband-qwen-vl-part-a-20968030339737 (READ-ONLY COPY).

The authoritative reference and input builder live on the scoring server;
editing this copy changes nothing except your own understanding.
"""

import jax, jax.numpy as jnp
import numpy as np

VOCAB = 151936
D_MODEL = 2048
BATCH = 4
SEQ = 2048

def setup_inputs(seed: int = 0) -> dict:
    key = jax.random.key(seed)
    k_ids, k_tab = jax.random.split(key)
    input_ids = jax.random.randint(k_ids, (BATCH, SEQ), 0, VOCAB, dtype=jnp.int64) if jax.config.jax_enable_x64 else jax.random.randint(k_ids, (BATCH, SEQ), 0, VOCAB, dtype=jnp.int32)
    embed_table = jax.random.normal(k_tab, (VOCAB, D_MODEL), dtype=jnp.float32) * 0.02
    return {"input_ids": input_ids, "embed_table": embed_table}

def reference(input_ids, embed_table):
    # QwenVL_PartA.forward: self.qwenvl.model.language_model.embed_tokens(input_ids)
    # i.e. a plain nn.Embedding row-gather.
    return jnp.take(embed_table, input_ids, axis=0)

if __name__ == "__main__":
    import jax
    _d = setup_inputs()
    print(jax.jit(kernel)(*tuple(_d.values())))

</pallas_src>

<mosaic_0001>
#map = affine_map<(d0, d1) -> (0, 0, 0)>
#map1 = affine_map<(d0, d1) -> (0, 0)>
module attributes {stable_mosaic.version = 14 : i64} {
  func.func @_sc_gather(%arg0: i32, %arg1: i32, %arg2: memref<32x32x8xi32, #tpu.memory_space<hbm>>, %arg3: memref<151936x2048xf32, #tpu.memory_space<hbm>>, %arg4: memref<8192x2048xf32, #tpu.memory_space<hbm>>, %arg5: memref<32x8xi32, #tpu.memory_space<vmem>>, %arg6: memref<4x8x2048xf32, #tpu.memory_space<vmem>>, %arg7: memref<!tpu.dma_semaphore, #tpu.memory_space<semaphore_mem>>, %arg8: memref<!tpu.dma_semaphore, #tpu.memory_space<semaphore_mem>>, %arg9: memref<!tpu.dma_semaphore, #tpu.memory_space<semaphore_mem>>, %arg10: memref<!tpu.dma_semaphore, #tpu.memory_space<semaphore_mem>>, %arg11: memref<!tpu.dma_semaphore, #tpu.memory_space<semaphore_mem>>, %arg12: memref<!tpu.dma_semaphore, #tpu.memory_space<semaphore_mem>>, %arg13: memref<!tpu.dma_semaphore, #tpu.memory_space<semaphore_mem>>, %arg14: memref<!tpu.dma_semaphore, #tpu.memory_space<semaphore_mem>>) attributes {dimension_semantics = [#tpu.dimension_semantics<core_parallel>, #tpu.dimension_semantics<subcore_parallel>], iteration_bounds = array<i64: 2, 16>, scalar_prefetch = 0 : i64, scratch_operands = 10 : i64, tpu.core_type = #tpu.core_type<sc_vector_subcore>, window_params = [{transform_indices = #map}, {transform_indices = #map1}, {transform_indices = #map1}]} {
    %mul3A = arith.constant 2 : i32
    %mul3A_0 = arith.muli %arg1, %mul3A : i32
    %add3A = arith.addi %mul3A_0, %arg0 : i32
    %mul3A_1 = arith.constant 256 : i32
    %mul3A_2 = arith.muli %add3A, %mul3A_1 : i32
    "tpu.region"() ({
      %run_scoped3A = tpu.sem_alloc : memref<!tpu.dma_semaphore, #tpu.memory_space<semaphore_mem>>
      %dma_start3A_54 = arith.constant 0 : i32
      %dma_start3A_55 = arith.constant 0 : i32
      %dma_start3A_56 = tpu.memref_slice %arg2[%add3A, %dma_start3A_54, %dma_start3A_55] : memref<32x32x8xi32, #tpu.memory_space<hbm>> -> memref<1x32x8xi32, #tpu.memory_space<hbm>>
      %dma_start3A_57 = tpu.memref_squeeze %dma_start3A_56 : memref<1x32x8xi32, #tpu.memory_space<hbm>> -> memref<32x8xi32, #tpu.memory_space<hbm>>
      %dma_start3A_58 = arith.constant 0 : i32
      %dma_start3A_59 = arith.constant 0 : i32
      %dma_start3A_60 = tpu.memref_slice %arg2[%add3A, %dma_start3A_58, %dma_start3A_59] : memref<32x32x8xi32, #tpu.memory_space<hbm>> -> memref<1x32x8xi32, #tpu.memory_space<hbm>>
      %dma_start3A_61 = tpu.memref_squeeze %dma_start3A_60 : memref<1x32x8xi32, #tpu.memory_space<hbm>> -> memref<32x8xi32, #tpu.memory_space<hbm>>
      tpu.enqueue_dma source(%dma_start3A_61 : memref<32x8xi32, #tpu.memory_space<hbm>>) target(%arg5 : memref<32x8xi32, #tpu.memory_space<vmem>>) target_semaphore(%run_scoped3A : memref<!tpu.dma_semaphore, #tpu.memory_space<semaphore_mem>>)
      %dma_wait3A_62 = arith.constant 0 : i32
      %dma_wait3A_63 = arith.constant 0 : i32
      %dma_wait3A_64 = tpu.memref_slice %arg2[%add3A, %dma_wait3A_62, %dma_wait3A_63] : memref<32x32x8xi32, #tpu.memory_space<hbm>> -> memref<1x32x8xi32, #tpu.memory_space<hbm>>
      %dma_wait3A_65 = tpu.memref_squeeze %dma_wait3A_64 : memref<1x32x8xi32, #tpu.memory_space<hbm>> -> memref<32x8xi32, #tpu.memory_space<hbm>>
      %dma_wait3A_66 = arith.constant 0 : i32
      %dma_wait3A_67 = arith.constant 0 : i32
      %dma_wait3A_68 = tpu.memref_slice %arg2[%add3A, %dma_wait3A_66, %dma_wait3A_67] : memref<32x32x8xi32, #tpu.memory_space<hbm>> -> memref<1x32x8xi32, #tpu.memory_space<hbm>>
      %dma_wait3A_69 = tpu.memref_squeeze %dma_wait3A_68 : memref<1x32x8xi32, #tpu.memory_space<hbm>> -> memref<32x8xi32, #tpu.memory_space<hbm>>
      tpu.wait_dma2 semaphore(%run_scoped3A : memref<!tpu.dma_semaphore, #tpu.memory_space<semaphore_mem>>) src(%dma_wait3A_69 : memref<32x8xi32, #tpu.memory_space<hbm>>) dst(%arg5 : memref<32x8xi32, #tpu.memory_space<vmem>>)
      tpu.yield
    }) : () -> ()
    %dma_start3A = arith.constant 0 : i32
    %dma_start3A_3 = arith.constant 0 : i32
    %dma_start3A_4 = arith.constant 0 : i32
    %dma_start3A_5 = arith.constant 0 : i32
    %dma_start3A_6 = tpu.memref_slice %arg6[%dma_start3A_3, %dma_start3A_4, %dma_start3A_5] : memref<4x8x2048xf32, #tpu.memory_space<vmem>> -> memref<1x8x2048xf32, #tpu.memory_space<vmem>>
    %dma_start3A_7 = tpu.memref_squeeze %dma_start3A_6 : memref<1x8x2048xf32, #tpu.memory_space<vmem>> -> memref<8x2048xf32, #tpu.memory_space<vmem>>
    %dma_start3A_8 = arith.constant 0 : i32
    %dma_start3A_9 = tpu.memref_slice %arg5[%dma_start3A, %dma_start3A_8] : memref<32x8xi32, #tpu.memory_space<vmem>> -> memref<1x8xi32, #tpu.memory_space<vmem>>
    %dma_start3A_10 = tpu.memref_squeeze %dma_start3A_9 : memref<1x8xi32, #tpu.memory_space<vmem>> -> memref<8xi32, #tpu.memory_space<vmem>>
    %dma_start3A_11 = arith.constant 0 : i32
    %dma_start3A_12 = arith.constant 0 : i32
    %dma_start3A_13 = tpu.memref_slice %arg3[%dma_start3A_11, %dma_start3A_12] : memref<151936x2048xf32, #tpu.memory_space<hbm>> -> memref<151936x2048xf32, #tpu.memory_space<hbm>>
    tpu.enqueue_indirect_dma source(%dma_start3A_13 : memref<151936x2048xf32, #tpu.memory_space<hbm>>) target(%dma_start3A_7 : memref<8x2048xf32, #tpu.memory_space<vmem>>) offsets(%dma_start3A_10 : memref<8xi32, #tpu.memory_space<vmem>>) semaphore(%arg7 : memref<!tpu.dma_semaphore, #tpu.memory_space<semaphore_mem>>)
    %dma_start3A_14 = arith.constant 1 : i32
    %dma_start3A_15 = arith.constant 1 : i32
    %dma_start3A_16 = arith.constant 0 : i32
    %dma_start3A_17 = arith.constant 0 : i32
    %dma_start3A_18 = tpu.memref_slice %arg6[%dma_start3A_15, %dma_start3A_16, %dma_start3A_17] : memref<4x8x2048xf32, #tpu.memory_space<vmem>> -> memref<1x8x2048xf32, #tpu.memory_space<vmem>>
    %dma_start3A_19 = tpu.memref_squeeze %dma_start3A_18 : memref<1x8x2048xf32, #tpu.memory_space<vmem>> -> memref<8x2048xf32, #tpu.memory_space<vmem>>
    %dma_start3A_20 = arith.constant 0 : i32
    %dma_start3A_21 = tpu.memref_slice %arg5[%dma_start3A_14, %dma_start3A_20] : memref<32x8xi32, #tpu.memory_space<vmem>> -> memref<1x8xi32, #tpu.memory_space<vmem>>
    %dma_start3A_22 = tpu.memref_squeeze %dma_start3A_21 : memref<1x8xi32, #tpu.memory_space<vmem>> -> memref<8xi32, #tpu.memory_space<vmem>>
    %dma_start3A_23 = arith.constant 0 : i32
    %dma_start3A_24 = arith.constant 0 : i32
    %dma_start3A_25 = tpu.memref_slice %arg3[%dma_start3A_23, %dma_start3A_24] : memref<151936x2048xf32, #tpu.memory_space<hbm>> -> memref<151936x2048xf32, #tpu.memory_space<hbm>>
    tpu.enqueue_indirect_dma source(%dma_start3A_25 : memref<151936x2048xf32, #tpu.memory_space<hbm>>) target(%dma_start3A_19 : memref<8x2048xf32, #tpu.memory_space<vmem>>) offsets(%dma_start3A_22 : memref<8xi32, #tpu.memory_space<vmem>>) semaphore(%arg8 : memref<!tpu.dma_semaphore, #tpu.memory_space<semaphore_mem>>)
    %dma_start3A_26 = arith.constant 2 : i32
    %dma_start3A_27 = arith.constant 2 : i32
    %dma_start3A_28 = arith.constant 0 : i32
    %dma_start3A_29 = arith.constant 0 : i32
    %dma_start3A_30 = tpu.memref_slice %arg6[%dma_start3A_27, %dma_start3A_28, %dma_start3A_29] : memref<4x8x2048xf32, #tpu.memory_space<vmem>> -> memref<1x8x2048xf32, #tpu.memory_space<vmem>>
    %dma_start3A_31 = tpu.memref_squeeze %dma_start3A_30 : memref<1x8x2048xf32, #tpu.memory_space<vmem>> -> memref<8x2048xf32, #tpu.memory_space<vmem>>
    %dma_start3A_32 = arith.constant 0 : i32
    %dma_start3A_33 = tpu.memref_slice %arg5[%dma_start3A_26, %dma_start3A_32] : memref<32x8xi32, #tpu.memory_space<vmem>> -> memref<1x8xi32, #tpu.memory_space<vmem>>
    %dma_start3A_34 = tpu.memref_squeeze %dma_start3A_33 : memref<1x8xi32, #tpu.memory_space<vmem>> -> memref<8xi32, #tpu.memory_space<vmem>>
    %dma_start3A_35 = arith.constant 0 : i32
    %dma_start3A_36 = arith.constant 0 : i32
    %dma_start3A_37 = tpu.memref_slice %arg3[%dma_start3A_35, %dma_start3A_36] : memref<151936x2048xf32, #tpu.memory_space<hbm>> -> memref<151936x2048xf32, #tpu.memory_space<hbm>>
    tpu.enqueue_indirect_dma source(%dma_start3A_37 : memref<151936x2048xf32, #tpu.memory_space<hbm>>) target(%dma_start3A_31 : memref<8x2048xf32, #tpu.memory_space<vmem>>) offsets(%dma_start3A_34 : memref<8xi32, #tpu.memory_space<vmem>>) semaphore(%arg9 : memref<!tpu.dma_semaphore, #tpu.memory_space<semaphore_mem>>)
    %scan3A = arith.constant 0 : i32
    %scan3A_38 = arith.constant 8 : i32
    %scan3A_39 = arith.addi %scan3A, %scan3A_38 : i32
    %scan3A_40 = arith.constant 1 : i32
    scf.for %scan3A_54 = %scan3A to %scan3A_39 step %scan3A_40  : i32 {
      %mul3A_55 = arith.constant 4 : i32
      %mul3A_56 = arith.muli %scan3A_54, %mul3A_55 : i32
      %add3A_57 = arith.constant 0 : i32
      %add3A_58 = arith.addi %add3A_57, %mul3A_56 : i32
      %add3A_59 = arith.constant 0 : i32
      %add3A_60 = arith.addi %add3A_58, %add3A_59 : i32
      %ge3A = arith.constant 1 : i32
      %ge3A_61 = arith.cmpi sge, %add3A_60, %ge3A : i32
      %convert_element_type3A = arith.extui %ge3A_61 : i1 to i32
      %cond3A = arith.constant 0 : i32
      %cond3A_62 = arith.cmpi ne, %convert_element_type3A, %cond3A : i32
      scf.if %cond3A_62 {
        %dma_wait3A_235 = arith.constant 3 : i32
        %dma_wait3A_236 = arith.constant 0 : i32
        %dma_wait3A_237 = arith.constant 0 : i32
        %dma_wait3A_238 = tpu.memref_slice %arg6[%dma_wait3A_235, %dma_wait3A_236, %dma_wait3A_237] : memref<4x8x2048xf32, #tpu.memory_space<vmem>> -> memref<1x8x2048xf32, #tpu.memory_space<vmem>>
        %dma_wait3A_239 = tpu.memref_squeeze %dma_wait3A_238 : memref<1x8x2048xf32, #tpu.memory_space<vmem>> -> memref<8x2048xf32, #tpu.memory_space<vmem>>
        %dma_wait3A_240 = arith.constant 0 : i32
        %dma_wait3A_241 = tpu.memref_slice %arg4[%mul3A_2, %dma_wait3A_240] : memref<8192x2048xf32, #tpu.memory_space<hbm>> -> memref<8x2048xf32, #tpu.memory_space<hbm>>
        %dma_wait3A_242 = arith.constant 0 : i32
        %dma_wait3A_243 = tpu.memref_slice %arg4[%mul3A_2, %dma_wait3A_242] : memref<8192x2048xf32, #tpu.memory_space<hbm>> -> memref<8x2048xf32, #tpu.memory_space<hbm>>
        %dma_wait3A_244 = arith.constant 0 : i32
        %dma_wait3A_245 = arith.constant 0 : i32
        %dma_wait3A_246 = tpu.memref_slice %arg6[%dma_wait3A_235, %dma_wait3A_244, %dma_wait3A_245] : memref<4x8x2048xf32, #tpu.memory_space<vmem>> -> memref<1x8x2048xf32, #tpu.memory_space<vmem>>
        %dma_wait3A_247 = tpu.memref_squeeze %dma_wait3A_246 : memref<1x8x2048xf32, #tpu.memory_space<vmem>> -> memref<8x2048xf32, #tpu.memory_space<vmem>>
        tpu.wait_dma2 semaphore(%arg14 : memref<!tpu.dma_semaphore, #tpu.memory_space<semaphore_mem>>) src(%dma_wait3A_247 : memref<8x2048xf32, #tpu.memory_space<vmem>>) dst(%dma_wait3A_243 : memref<8x2048xf32, #tpu.memory_space<hbm>>)
      } else {
      }
      %add3A_63 = arith.constant 3 : i32
      %add3A_64 = arith.addi %add3A_60, %add3A_63 : i32
      %lt3A = arith.constant 32 : i32
      %lt3A_65 = arith.cmpi slt, %add3A_64, %lt3A : i32
      %convert_element_type3A_66 = arith.extui %lt3A_65 : i1 to i32
      %cond3A_67 = arith.constant 0 : i32
      %cond3A_68 = arith.cmpi ne, %convert_element_type3A_66, %cond3A_67 : i32
      scf.if %cond3A_68 {
        %add3A_235 = arith.constant 3 : i32
        %add3A_236 = arith.addi %add3A_60, %add3A_235 : i32
        %dma_start3A_237 = arith.constant 3 : i32
        %dma_start3A_238 = arith.constant 0 : i32
        %dma_start3A_239 = arith.constant 0 : i32
        %dma_start3A_240 = tpu.memref_slice %arg6[%dma_start3A_237, %dma_start3A_238, %dma_start3A_239] : memref<4x8x2048xf32, #tpu.memory_space<vmem>> -> memref<1x8x2048xf32, #tpu.memory_space<vmem>>
        %dma_start3A_241 = tpu.memref_squeeze %dma_start3A_240 : memref<1x8x2048xf32, #tpu.memory_space<vmem>> -> memref<8x2048xf32, #tpu.memory_space<vmem>>
        %dma_start3A_242 = arith.constant 0 : i32
        %dma_start3A_243 = tpu.memref_slice %arg5[%add3A_236, %dma_start3A_242] : memref<32x8xi32, #tpu.memory_space<vmem>> -> memref<1x8xi32, #tpu.memory_space<vmem>>
        %dma_start3A_244 = tpu.memref_squeeze %dma_start3A_243 : memref<1x8xi32, #tpu.memory_space<vmem>> -> memref<8xi32, #tpu.memory_space<vmem>>
        %dma_start3A_245 = arith.constant 0 : i32
        %dma_start3A_246 = arith.constant 0 : i32
        %dma_start3A_247 = tpu.memref_slice %arg3[%dma_start3A_245, %dma_start3A_246] : memref<151936x2048xf32, #tpu.memory_space<hbm>> -> memref<151936x2048xf32, #tpu.memory_space<hbm>>
        tpu.enqueue_indirect_dma source(%dma_start3A_247 : memref<151936x2048xf32, #tpu.memory_space<hbm>>) target(%dma_start3A_241 : memref<8x2048xf32, #tpu.memory_space<vmem>>) offsets(%dma_start3A_244 : memref<8xi32, #tpu.memory_space<vmem>>) semaphore(%arg10 : memref<!tpu.dma_semaphore, #tpu.memory_space<semaphore_mem>>)
      } else {
      }
      %dma_wait3A_69 = arith.constant 0 : i32
      %dma_wait3A_70 = arith.constant 0 : i32
      %dma_wait3A_71 = arith.constant 0 : i32
      %dma_wait3A_72 = tpu.memref_slice %arg6[%dma_wait3A_69, %dma_wait3A_70, %dma_wait3A_71] : memref<4x8x2048xf32, #tpu.memory_space<vmem>> -> memref<1x8x2048xf32, #tpu.memory_space<vmem>>
      %dma_wait3A_73 = tpu.memref_squeeze %dma_wait3A_72 : memref<1x8x2048xf32, #tpu.memory_space<vmem>> -> memref<8x2048xf32, #tpu.memory_space<vmem>>
      %dma_wait3A_74 = arith.constant 0 : i32
      %dma_wait3A_75 = arith.constant 0 : i32
      %dma_wait3A_76 = tpu.memref_slice %arg3[%dma_wait3A_74, %dma_wait3A_75] : memref<151936x2048xf32, #tpu.memory_space<hbm>> -> memref<8x2048xf32, #tpu.memory_space<hbm>>
      %dma_wait3A_77 = arith.constant 0 : i32
      %dma_wait3A_78 = arith.constant 0 : i32
      %dma_wait3A_79 = tpu.memref_slice %arg6[%dma_wait3A_69, %dma_wait3A_77, %dma_wait3A_78] : memref<4x8x2048xf32, #tpu.memory_space<vmem>> -> memref<1x8x2048xf32, #tpu.memory_space<vmem>>
      %dma_wait3A_80 = tpu.memref_squeeze %dma_wait3A_79 : memref<1x8x2048xf32, #tpu.memory_space<vmem>> -> memref<8x2048xf32, #tpu.memory_space<vmem>>
      %dma_wait3A_81 = arith.constant 0 : i32
      %dma_wait3A_82 = arith.constant 0 : i32
      %dma_wait3A_83 = tpu.memref_slice %arg3[%dma_wait3A_81, %dma_wait3A_82] : memref<151936x2048xf32, #tpu.memory_space<hbm>> -> memref<8x2048xf32, #tpu.memory_space<hbm>>
      tpu.wait_dma2 semaphore(%arg7 : memref<!tpu.dma_semaphore, #tpu.memory_space<semaphore_mem>>) src(%dma_wait3A_83 : memref<8x2048xf32, #tpu.memory_space<hbm>>) dst(%dma_wait3A_80 : memref<8x2048xf32, #tpu.memory_space<vmem>>)
      %mul3A_84 = arith.constant 8 : i32
      %mul3A_85 = arith.muli %add3A_60, %mul3A_84 : i32
      %add3A_86 = arith.addi %mul3A_2, %mul3A_85 : i32
      %dma_start3A_87 = arith.constant 0 : i32
      %dma_start3A_88 = arith.constant 0 : i32
      %dma_start3A_89 = arith.constant 0 : i32
      %dma_start3A_90 = tpu.memref_slice %arg6[%dma_start3A_87, %dma_start3A_88, %dma_start3A_89] : memref<4x8x2048xf32, #tpu.memory_space<vmem>> -> memref<1x8x2048xf32, #tpu.memory_space<vmem>>
      %dma_start3A_91 = tpu.memref_squeeze %dma_start3A_90 : memref<1x8x2048xf32, #tpu.memory_space<vmem>> -> memref<8x2048xf32, #tpu.memory_space<vmem>>
      %dma_start3A_92 = arith.constant 0 : i32
      %dma_start3A_93 = tpu.memref_slice %arg4[%add3A_86, %dma_start3A_92] : memref<8192x2048xf32, #tpu.memory_space<hbm>> -> memref<8x2048xf32, #tpu.memory_space<hbm>>
      %dma_start3A_94 = arith.constant 0 : i32
      %dma_start3A_95 = tpu.memref_slice %arg4[%add3A_86, %dma_start3A_94] : memref<8192x2048xf32, #tpu.memory_space<hbm>> -> memref<8x2048xf32, #tpu.memory_space<hbm>>
      %dma_start3A_96 = arith.constant 0 : i32
      %dma_start3A_97 = arith.constant 0 : i32
      %dma_start3A_98 = tpu.memref_slice %arg6[%dma_start3A_87, %dma_start3A_96, %dma_start3A_97] : memref<4x8x2048xf32, #tpu.memory_space<vmem>> -> memref<1x8x2048xf32, #tpu.memory_space<vmem>>
      %dma_start3A_99 = tpu.memref_squeeze %dma_start3A_98 : memref<1x8x2048xf32, #tpu.memory_space<vmem>> -> memref<8x2048xf32, #tpu.memory_space<vmem>>
      tpu.enqueue_dma source(%dma_start3A_99 : memref<8x2048xf32, #tpu.memory_space<vmem>>) target(%dma_start3A_95 : memref<8x2048xf32, #tpu.memory_space<hbm>>) target_semaphore(%arg11 : memref<!tpu.dma_semaphore, #tpu.memory_space<semaphore_mem>>)
      %add3A_100 = arith.constant 1 : i32
      %add3A_101 = arith.addi %add3A_58, %add3A_100 : i32
      %ge3A_102 = arith.constant 1 : i32
      %ge3A_103 = arith.cmpi sge, %add3A_101, %ge3A_102 : i32
      %convert_element_type3A_104 = arith.extui %ge3A_103 : i1 to i32
      %cond3A_105 = arith.constant 0 : i32
      %cond3A_106 = arith.cmpi ne, %convert_element_type3A_104, %cond3A_105 : i32
      scf.if %cond3A_106 {
        %dma_wait3A_235 = arith.constant 0 : i32
        %dma_wait3A_236 = arith.constant 0 : i32
        %dma_wait3A_237 = arith.constant 0 : i32
        %dma_wait3A_238 = tpu.memref_slice %arg6[%dma_wait3A_235, %dma_wait3A_236, %dma_wait3A_237] : memref<4x8x2048xf32, #tpu.memory_space<vmem>> -> memref<1x8x2048xf32, #tpu.memory_space<vmem>>
        %dma_wait3A_239 = tpu.memref_squeeze %dma_wait3A_238 : memref<1x8x2048xf32, #tpu.memory_space<vmem>> -> memref<8x2048xf32, #tpu.memory_space<vmem>>
        %dma_wait3A_240 = arith.constant 0 : i32
        %dma_wait3A_241 = tpu.memref_slice %arg4[%mul3A_2, %dma_wait3A_240] : memref<8192x2048xf32, #tpu.memory_space<hbm>> -> memref<8x2048xf32, #tpu.memory_space<hbm>>
        %dma_wait3A_242 = arith.constant 0 : i32
        %dma_wait3A_243 = tpu.memref_slice %arg4[%mul3A_2, %dma_wait3A_242] : memref<8192x2048xf32, #tpu.memory_space<hbm>> -> memref<8x2048xf32, #tpu.memory_space<hbm>>
        %dma_wait3A_244 = arith.constant 0 : i32
        %dma_wait3A_245 = arith.constant 0 : i32
        %dma_wait3A_246 = tpu.memref_slice %arg6[%dma_wait3A_235, %dma_wait3A_244, %dma_wait3A_245] : memref<4x8x2048xf32, #tpu.memory_space<vmem>> -> memref<1x8x2048xf32, #tpu.memory_space<vmem>>
        %dma_wait3A_247 = tpu.memref_squeeze %dma_wait3A_246 : memref<1x8x2048xf32, #tpu.memory_space<vmem>> -> memref<8x2048xf32, #tpu.memory_space<vmem>>
        tpu.wait_dma2 semaphore(%arg11 : memref<!tpu.dma_semaphore, #tpu.memory_space<semaphore_mem>>) src(%dma_wait3A_247 : memref<8x2048xf32, #tpu.memory_space<vmem>>) dst(%dma_wait3A_243 : memref<8x2048xf32, #tpu.memory_space<hbm>>)
      } else {
      }
      %add3A_107 = arith.constant 3 : i32
      %add3A_108 = arith.addi %add3A_101, %add3A_107 : i32
      %lt3A_109 = arith.constant 32 : i32
      %lt3A_110 = arith.cmpi slt, %add3A_108, %lt3A_109 : i32
      %convert_element_type3A_111 = arith.extui %lt3A_110 : i1 to i32
      %cond3A_112 = arith.constant 0 : i32
      %cond3A_113 = arith.cmpi ne, %convert_element_type3A_111, %cond3A_112 : i32
      scf.if %cond3A_113 {
        %add3A_235 = arith.constant 3 : i32
        %add3A_236 = arith.addi %add3A_101, %add3A_235 : i32
        %dma_start3A_237 = arith.constant 0 : i32
        %dma_start3A_238 = arith.constant 0 : i32
        %dma_start3A_239 = arith.constant 0 : i32
        %dma_start3A_240 = tpu.memref_slice %arg6[%dma_start3A_237, %dma_start3A_238, %dma_start3A_239] : memref<4x8x2048xf32, #tpu.memory_space<vmem>> -> memref<1x8x2048xf32, #tpu.memory_space<vmem>>
        %dma_start3A_241 = tpu.memref_squeeze %dma_start3A_240 : memref<1x8x2048xf32, #tpu.memory_space<vmem>> -> memref<8x2048xf32, #tpu.memory_space<vmem>>
        %dma_start3A_242 = arith.constant 0 : i32
        %dma_start3A_243 = tpu.memref_slice %arg5[%add3A_236, %dma_start3A_242] : memref<32x8xi32, #tpu.memory_space<vmem>> -> memref<1x8xi32, #tpu.memory_space<vmem>>
        %dma_start3A_244 = tpu.memref_squeeze %dma_start3A_243 : memref<1x8xi32, #tpu.memory_space<vmem>> -> memref<8xi32, #tpu.memory_space<vmem>>
        %dma_start3A_245 = arith.constant 0 : i32
        %dma_start3A_246 = arith.constant 0 : i32
        %dma_start3A_247 = tpu.memref_slice %arg3[%dma_start3A_245, %dma_start3A_246] : memref<151936x2048xf32, #tpu.memory_space<hbm>> -> memref<151936x2048xf32, #tpu.memory_space<hbm>>
        tpu.enqueue_indirect_dma source(%dma_start3A_247 : memref<151936x2048xf32, #tpu.memory_space<hbm>>) target(%dma_start3A_241 : memref<8x2048xf32, #tpu.memory_space<vmem>>) offsets(%dma_start3A_244 : memref<8xi32, #tpu.memory_space<vmem>>) semaphore(%arg7 : memref<!tpu.dma_semaphore, #tpu.memory_space<semaphore_mem>>)
      } else {
      }
      %dma_wait3A_114 = arith.constant 1 : i32
      %dma_wait3A_115 = arith.constant 0 : i32
      %dma_wait3A_116 = arith.constant 0 : i32
      %dma_wait3A_117 = tpu.memref_slice %arg6[%dma_wait3A_114, %dma_wait3A_115, %dma_wait3A_116] : memref<4x8x2048xf32, #tpu.memory_space<vmem>> -> memref<1x8x2048xf32, #tpu.memory_space<vmem>>
      %dma_wait3A_118 = tpu.memref_squeeze %dma_wait3A_117 : memref<1x8x2048xf32, #tpu.memory_space<vmem>> -> memref<8x2048xf32, #tpu.memory_space<vmem>>
      %dma_wait3A_119 = arith.constant 0 : i32
      %dma_wait3A_120 = arith.constant 0 : i32
      %dma_wait3A_121 = tpu.memref_slice %arg3[%dma_wait3A_119, %dma_wait3A_120] : memref<151936x2048xf32, #tpu.memory_space<hbm>> -> memref<8x2048xf32, #tpu.memory_space<hbm>>
      %dma_wait3A_122 = arith.constant 0 : i32
      %dma_wait3A_123 = arith.constant 0 : i32
      %dma_wait3A_124 = tpu.memref_slice %arg6[%dma_wait3A_114, %dma_wait3A_122, %dma_wait3A_123] : memref<4x8x2048xf32, #tpu.memory_space<vmem>> -> memref<1x8x2048xf32, #tpu.memory_space<vmem>>
      %dma_wait3A_125 = tpu.memref_squeeze %dma_wait3A_124 : memref<1x8x2048xf32, #tpu.memory_space<vmem>> -> memref<8x2048xf32, #tpu.memory_space<vmem>>
      %dma_wait3A_126 = arith.constant 0 : i32
      %dma_wait3A_127 = arith.constant 0 : i32
      %dma_wait3A_128 = tpu.memref_slice %arg3[%dma_wait3A_126, %dma_wait3A_127] : memref<151936x2048xf32, #tpu.memory_space<hbm>> -> memref<8x2048xf32, #tpu.memory_space<hbm>>
      tpu.wait_dma2 semaphore(%arg8 : memref<!tpu.dma_semaphore, #tpu.memory_space<semaphore_mem>>) src(%dma_wait3A_128 : memref<8x2048xf32, #tpu.memory_space<hbm>>) dst(%dma_wait3A_125 : memref<8x2048xf32, #tpu.memory_space<vmem>>)
      %mul3A_129 = arith.constant 8 : i32
      %mul3A_130 = arith.muli %add3A_101, %mul3A_129 : i32
      %add3A_131 = arith.addi %mul3A_2, %mul3A_130 : i32
      %dma_start3A_132 = arith.constant 1 : i32
      %dma_start3A_133 = arith.constant 0 : i32
      %dma_start3A_134 = arith.constant 0 : i32
      %dma_start3A_135 = tpu.memref_slice %arg6[%dma_start3A_132, %dma_start3A_133, %dma_start3A_134] : memref<4x8x2048xf32, #tpu.memory_space<vmem>> -> memref<1x8x2048xf32, #tpu.memory_space<vmem>>
      %dma_start3A_136 = tpu.memref_squeeze %dma_start3A_135 : memref<1x8x2048xf32, #tpu.memory_space<vmem>> -> memref<8x2048xf32, #tpu.memory_space<vmem>>
      %dma_start3A_137 = arith.constant 0 : i32
      %dma_start3A_138 = tpu.memref_slice %arg4[%add3A_131, %dma_start3A_137] : memref<8192x2048xf32, #tpu.memory_space<hbm>> -> memref<8x2048xf32, #tpu.memory_space<hbm>>
      %dma_start3A_139 = arith.constant 0 : i32
      %dma_start3A_140 = tpu.memref_slice %arg4[%add3A_131, %dma_start3A_139] : memref<8192x2048xf32, #tpu.memory_space<hbm>> -> memref<8x2048xf32, #tpu.memory_space<hbm>>
      %dma_start3A_141 = arith.constant 0 : i32
      %dma_start3A_142 = arith.constant 0 : i32
      %dma_start3A_143 = tpu.memref_slice %arg6[%dma_start3A_132, %dma_start3A_141, %dma_start3A_142] : memref<4x8x2048xf32, #tpu.memory_space<vmem>> -> memref<1x8x2048xf32, #tpu.memory_space<vmem>>
      %dma_start3A_144 = tpu.memref_squeeze %dma_start3A_143 : memref<1x8x2048xf32, #tpu.memory_space<vmem>> -> memref<8x2048xf32, #tpu.memory_space<vmem>>
      tpu.enqueue_dma source(%dma_start3A_144 : memref<8x2048xf32, #tpu.memory_space<vmem>>) target(%dma_start3A_140 : memref<8x2048xf32, #tpu.memory_space<hbm>>) target_semaphore(%arg12 : memref<!tpu.dma_semaphore, #tpu.memory_space<semaphore_mem>>)
      %add3A_145 = arith.constant 2 : i32
      %add3A_146 = arith.addi %add3A_58, %add3A_145 : i32
      %ge3A_147 = arith.constant 1 : i32
      %ge3A_148 = arith.cmpi sge, %add3A_146, %ge3A_147 : i32
      %convert_element_type3A_149 = arith.extui %ge3A_148 : i1 to i32
      %cond3A_150 = arith.constant 0 : i32
      %cond3A_151 = arith.cmpi ne, %convert_element_type3A_149, %cond3A_150 : i32
      scf.if %cond3A_151 {
        %dma_wait3A_235 = arith.constant 1 : i32
        %dma_wait3A_236 = arith.constant 0 : i32
        %dma_wait3A_237 = arith.constant 0 : i32
        %dma_wait3A_238 = tpu.memref_slice %arg6[%dma_wait3A_235, %dma_wait3A_236, %dma_wait3A_237] : memref<4x8x2048xf32, #tpu.memory_space<vmem>> -> memref<1x8x2048xf32, #tpu.memory_space<vmem>>
        %dma_wait3A_239 = tpu.memref_squeeze %dma_wait3A_238 : memref<1x8x2048xf32, #tpu.memory_space<vmem>> -> memref<8x2048xf32, #tpu.memory_space<vmem>>
        %dma_wait3A_240 = arith.constant 0 : i32
        %dma_wait3A_241 = tpu.memref_slice %arg4[%mul3A_2, %dma_wait3A_240] : memref<8192x2048xf32, #tpu.memory_space<hbm>> -> memref<8x2048xf32, #tpu.memory_space<hbm>>
        %dma_wait3A_242 = arith.constant 0 : i32
        %dma_wait3A_243 = tpu.memref_slice %arg4[%mul3A_2, %dma_wait3A_242] : memref<8192x2048xf32, #tpu.memory_space<hbm>> -> memref<8x2048xf32, #tpu.memory_space<hbm>>
        %dma_wait3A_244 = arith.constant 0 : i32
        %dma_wait3A_245 = arith.constant 0 : i32
        %dma_wait3A_246 = tpu.memref_slice %arg6[%dma_wait3A_235, %dma_wait3A_244, %dma_wait3A_245] : memref<4x8x2048xf32, #tpu.memory_space<vmem>> -> memref<1x8x2048xf32, #tpu.memory_space<vmem>>
        %dma_wait3A_247 = tpu.memref_squeeze %dma_wait3A_246 : memref<1x8x2048xf32, #tpu.memory_space<vmem>> -> memref<8x2048xf32, #tpu.memory_space<vmem>>
        tpu.wait_dma2 semaphore(%arg12 : memref<!tpu.dma_semaphore, #tpu.memory_space<semaphore_mem>>) src(%dma_wait3A_247 : memref<8x2048xf32, #tpu.memory_space<vmem>>) dst(%dma_wait3A_243 : memref<8x2048xf32, #tpu.memory_space<hbm>>)
      } else {
      }
      %add3A_152 = arith.constant 3 : i32
      %add3A_153 = arith.addi %add3A_146, %add3A_152 : i32
      %lt3A_154 = arith.constant 32 : i32
      %lt3A_155 = arith.cmpi slt, %add3A_153, %lt3A_154 : i32
      %convert_element_type3A_156 = arith.extui %lt3A_155 : i1 to i32
      %cond3A_157 = arith.constant 0 : i32
      %cond3A_158 = arith.cmpi ne, %convert_element_type3A_156, %cond3A_157 : i32
      scf.if %cond3A_158 {
        %add3A_235 = arith.constant 3 : i32
        %add3A_236 = arith.addi %add3A_146, %add3A_235 : i32
        %dma_start3A_237 = arith.constant 1 : i32
        %dma_start3A_238 = arith.constant 0 : i32
        %dma_start3A_239 = arith.constant 0 : i32
        %dma_start3A_240 = tpu.memref_slice %arg6[%dma_start3A_237, %dma_start3A_238, %dma_start3A_239] : memref<4x8x2048xf32, #tpu.memory_space<vmem>> -> memref<1x8x2048xf32, #tpu.memory_space<vmem>>
        %dma_start3A_241 = tpu.memref_squeeze %dma_start3A_240 : memref<1x8x2048xf32, #tpu.memory_space<vmem>> -> memref<8x2048xf32, #tpu.memory_space<vmem>>
        %dma_start3A_242 = arith.constant 0 : i32
        %dma_start3A_243 = tpu.memref_slice %arg5[%add3A_236, %dma_start3A_242] : memref<32x8xi32, #tpu.memory_space<vmem>> -> memref<1x8xi32, #tpu.memory_space<vmem>>
        %dma_start3A_244 = tpu.memref_squeeze %dma_start3A_243 : memref<1x8xi32, #tpu.memory_space<vmem>> -> memref<8xi32, #tpu.memory_space<vmem>>
        %dma_start3A_245 = arith.constant 0 : i32
        %dma_start3A_246 = arith.constant 0 : i32
        %dma_start3A_247 = tpu.memref_slice %arg3[%dma_start3A_245, %dma_start3A_246] : memref<151936x2048xf32, #tpu.memory_space<hbm>> -> memref<151936x2048xf32, #tpu.memory_space<hbm>>
        tpu.enqueue_indirect_dma source(%dma_start3A_247 : memref<151936x2048xf32, #tpu.memory_space<hbm>>) target(%dma_start3A_241 : memref<8x2048xf32, #tpu.memory_space<vmem>>) offsets(%dma_start3A_244 : memref<8xi32, #tpu.memory_space<vmem>>) semaphore(%arg8 : memref<!tpu.dma_semaphore, #tpu.memory_space<semaphore_mem>>)
      } else {
      }
      %dma_wait3A_159 = arith.constant 2 : i32
      %dma_wait3A_160 = arith.constant 0 : i32
      %dma_wait3A_161 = arith.constant 0 : i32
      %dma_wait3A_162 = tpu.memref_slice %arg6[%dma_wait3A_159, %dma_wait3A_160, %dma_wait3A_161] : memref<4x8x2048xf32, #tpu.memory_space<vmem>> -> memref<1x8x2048xf32, #tpu.memory_space<vmem>>
      %dma_wait3A_163 = tpu.memref_squeeze %dma_wait3A_162 : memref<1x8x2048xf32, #tpu.memory_space<vmem>> -> memref<8x2048xf32, #tpu.memory_space<vmem>>
      %dma_wait3A_164 = arith.constant 0 : i32
      %dma_wait3A_165 = arith.constant 0 : i32
      %dma_wait3A_166 = tpu.memref_slice %arg3[%dma_wait3A_164, %dma_wait3A_165] : memref<151936x2048xf32, #tpu.memory_space<hbm>> -> memref<8x2048xf32, #tpu.memory_space<hbm>>
      %dma_wait3A_167 = arith.constant 0 : i32
      %dma_wait3A_168 = arith.constant 0 : i32
      %dma_wait3A_169 = tpu.memref_slice %arg6[%dma_wait3A_159, %dma_wait3A_167, %dma_wait3A_168] : memref<4x8x2048xf32, #tpu.memory_space<vmem>> -> memref<1x8x2048xf32, #tpu.memory_space<vmem>>
      %dma_wait3A_170 = tpu.memref_squeeze %dma_wait3A_169 : memref<1x8x2048xf32, #tpu.memory_space<vmem>> -> memref<8x2048xf32, #tpu.memory_space<vmem>>
      %dma_wait3A_171 = arith.constant 0 : i32
      %dma_wait3A_172 = arith.constant 0 : i32
      %dma_wait3A_173 = tpu.memref_slice %arg3[%dma_wait3A_171, %dma_wait3A_172] : memref<151936x2048xf32, #tpu.memory_space<hbm>> -> memref<8x2048xf32, #tpu.memory_space<hbm>>
      tpu.wait_dma2 semaphore(%arg9 : memref<!tpu.dma_semaphore, #tpu.memory_space<semaphore_mem>>) src(%dma_wait3A_173 : memref<8x2048xf32, #tpu.memory_space<hbm>>) dst(%dma_wait3A_170 : memref<8x2048xf32, #tpu.memory_space<vmem>>)
      %mul3A_174 = arith.constant 8 : i32
      %mul3A_175 = arith.muli %add3A_146, %mul3A_174 : i32
      %add3A_176 = arith.addi %mul3A_2, %mul3A_175 : i32
      %dma_start3A_177 = arith.constant 2 : i32
      %dma_start3A_178 = arith.constant 0 : i32
      %dma_start3A_179 = arith.constant 0 : i32
      %dma_start3A_180 = tpu.memref_slice %arg6[%dma_start3A_177, %dma_start3A_178, %dma_start3A_179] : memref<4x8x2048xf32, #tpu.memory_space<vmem>> -> memref<1x8x2048xf32, #tpu.memory_space<vmem>>
      %dma_start3A_181 = tpu.memref_squeeze %dma_start3A_180 : memref<1x8x2048xf32, #tpu.memory_space<vmem>> -> memref<8x2048xf32, #tpu.memory_space<vmem>>
      %dma_start3A_182 = arith.constant 0 : i32
      %dma_start3A_183 = tpu.memref_slice %arg4[%add3A_176, %dma_start3A_182] : memref<8192x2048xf32, #tpu.memory_space<hbm>> -> memref<8x2048xf32, #tpu.memory_space<hbm>>
      %dma_start3A_184 = arith.constant 0 : i32
      %dma_start3A_185 = tpu.memref_slice %arg4[%add3A_176, %dma_start3A_184] : memref<8192x2048xf32, #tpu.memory_space<hbm>> -> memref<8x2048xf32, #tpu.memory_space<hbm>>
      %dma_start3A_186 = arith.constant 0 : i32
      %dma_start3A_187 = arith.constant 0 : i32
      %dma_start3A_188 = tpu.memref_slice %arg6[%dma_start3A_177, %dma_start3A_186, %dma_start3A_187] : memref<4x8x2048xf32, #tpu.memory_space<vmem>> -> memref<1x8x2048xf32, #tpu.memory_space<vmem>>
      %dma_start3A_189 = tpu.memref_squeeze %dma_start3A_188 : memref<1x8x2048xf32, #tpu.memory_space<vmem>> -> memref<8x2048xf32, #tpu.memory_space<vmem>>
      tpu.enqueue_dma source(%dma_start3A_189 : memref<8x2048xf32, #tpu.memory_space<vmem>>) target(%dma_start3A_185 : memref<8x2048xf32, #tpu.memory_space<hbm>>) target_semaphore(%arg13 : memref<!tpu.dma_semaphore, #tpu.memory_space<semaphore_mem>>)
      %add3A_190 = arith.constant 3 : i32
      %add3A_191 = arith.addi %add3A_58, %add3A_190 : i32
      %ge3A_192 = arith.constant 1 : i32
      %ge3A_193 = arith.cmpi sge, %add3A_191, %ge3A_192 : i32
      %convert_element_type3A_194 = arith.extui %ge3A_193 : i1 to i32
      %cond3A_195 = arith.constant 0 : i32
      %cond3A_196 = arith.cmpi ne, %convert_element_type3A_194, %cond3A_195 : i32
      scf.if %cond3A_196 {
        %dma_wait3A_235 = arith.constant 2 : i32
        %dma_wait3A_236 = arith.constant 0 : i32
        %dma_wait3A_237 = arith.constant 0 : i32
        %dma_wait3A_238 = tpu.memref_slice %arg6[%dma_wait3A_235, %dma_wait3A_236, %dma_wait3A_237] : memref<4x8x2048xf32, #tpu.memory_space<vmem>> -> memref<1x8x2048xf32, #tpu.memory_space<vmem>>
        %dma_wait3A_239 = tpu.memref_squeeze %dma_wait3A_238 : memref<1x8x2048xf32, #tpu.memory_space<vmem>> -> memref<8x2048xf32, #tpu.memory_space<vmem>>
        %dma_wait3A_240 = arith.constant 0 : i32
        %dma_wait3A_241 = tpu.memref_slice %arg4[%mul3A_2, %dma_wait3A_240] : memref<8192x2048xf32, #tpu.memory_space<hbm>> -> memref<8x2048xf32, #tpu.memory_space<hbm>>
        %dma_wait3A_242 = arith.constant 0 : i32
        %dma_wait3A_243 = tpu.memref_slice %arg4[%mul3A_2, %dma_wait3A_242] : memref<8192x2048xf32, #tpu.memory_space<hbm>> -> memref<8x2048xf32, #tpu.memory_space<hbm>>
        %dma_wait3A_244 = arith.constant 0 : i32
        %dma_wait3A_245 = arith.constant 0 : i32
        %dma_wait3A_246 = tpu.memref_slice %arg6[%dma_wait3A_235, %dma_wait3A_244, %dma_wait3A_245] : memref<4x8x2048xf32, #tpu.memory_space<vmem>> -> memref<1x8x2048xf32, #tpu.memory_space<vmem>>
        %dma_wait3A_247 = tpu.memref_squeeze %dma_wait3A_246 : memref<1x8x2048xf32, #tpu.memory_space<vmem>> -> memref<8x2048xf32, #tpu.memory_space<vmem>>
        tpu.wait_dma2 semaphore(%arg13 : memref<!tpu.dma_semaphore, #tpu.memory_space<semaphore_mem>>) src(%dma_wait3A_247 : memref<8x2048xf32, #tpu.memory_space<vmem>>) dst(%dma_wait3A_243 : memref<8x2048xf32, #tpu.memory_space<hbm>>)
      } else {
      }
      %add3A_197 = arith.constant 3 : i32
      %add3A_198 = arith.addi %add3A_191, %add3A_197 : i32
      %lt3A_199 = arith.constant 32 : i32
      %lt3A_200 = arith.cmpi slt, %add3A_198, %lt3A_199 : i32
      %convert_element_type3A_201 = arith.extui %lt3A_200 : i1 to i32
      %cond3A_202 = arith.constant 0 : i32
      %cond3A_203 = arith.cmpi ne, %convert_element_type3A_201, %cond3A_202 : i32
      scf.if %cond3A_203 {
        %add3A_235 = arith.constant 3 : i32
        %add3A_236 = arith.addi %add3A_191, %add3A_235 : i32
        %dma_start3A_237 = arith.constant 2 : i32
        %dma_start3A_238 = arith.constant 0 : i32
        %dma_start3A_239 = arith.constant 0 : i32
        %dma_start3A_240 = tpu.memref_slice %arg6[%dma_start3A_237, %dma_start3A_238, %dma_start3A_239] : memref<4x8x2048xf32, #tpu.memory_space<vmem>> -> memref<1x8x2048xf32, #tpu.memory_space<vmem>>
        %dma_start3A_241 = tpu.memref_squeeze %dma_start3A_240 : memref<1x8x2048xf32, #tpu.memory_space<vmem>> -> memref<8x2048xf32, #tpu.memory_space<vmem>>
        %dma_start3A_242 = arith.constant 0 : i32
        %dma_start3A_243 = tpu.memref_slice %arg5[%add3A_236, %dma_start3A_242] : memref<32x8xi32, #tpu.memory_space<vmem>> -> memref<1x8xi32, #tpu.memory_space<vmem>>
        %dma_start3A_244 = tpu.memref_squeeze %dma_start3A_243 : memref<1x8xi32, #tpu.memory_space<vmem>> -> memref<8xi32, #tpu.memory_space<vmem>>
        %dma_start3A_245 = arith.constant 0 : i32
        %dma_start3A_246 = arith.constant 0 : i32
        %dma_start3A_247 = tpu.memref_slice %arg3[%dma_start3A_245, %dma_start3A_246] : memref<151936x2048xf32, #tpu.memory_space<hbm>> -> memref<151936x2048xf32, #tpu.memory_space<hbm>>
        tpu.enqueue_indirect_dma source(%dma_start3A_247 : memref<151936x2048xf32, #tpu.memory_space<hbm>>) target(%dma_start3A_241 : memref<8x2048xf32, #tpu.memory_space<vmem>>) offsets(%dma_start3A_244 : memref<8xi32, #tpu.memory_space<vmem>>) semaphore(%arg9 : memref<!tpu.dma_semaphore, #tpu.memory_space<semaphore_mem>>)
      } else {
      }
      %dma_wait3A_204 = arith.constant 3 : i32
      %dma_wait3A_205 = arith.constant 0 : i32
      %dma_wait3A_206 = arith.constant 0 : i32
      %dma_wait3A_207 = tpu.memref_slice %arg6[%dma_wait3A_204, %dma_wait3A_205, %dma_wait3A_206] : memref<4x8x2048xf32, #tpu.memory_space<vmem>> -> memref<1x8x2048xf32, #tpu.memory_space<vmem>>
      %dma_wait3A_208 = tpu.memref_squeeze %dma_wait3A_207 : memref<1x8x2048xf32, #tpu.memory_space<vmem>> -> memref<8x2048xf32, #tpu.memory_space<vmem>>
      %dma_wait3A_209 = arith.constant 0 : i32
      %dma_wait3A_210 = arith.constant 0 : i32
      %dma_wait3A_211 = tpu.memref_slice %arg3[%dma_wait3A_209, %dma_wait3A_210] : memref<151936x2048xf32, #tpu.memory_space<hbm>> -> memref<8x2048xf32, #tpu.memory_space<hbm>>
      %dma_wait3A_212 = arith.constant 0 : i32
      %dma_wait3A_213 = arith.constant 0 : i32
      %dma_wait3A_214 = tpu.memref_slice %arg6[%dma_wait3A_204, %dma_wait3A_212, %dma_wait3A_213] : memref<4x8x2048xf32, #tpu.memory_space<vmem>> -> memref<1x8x2048xf32, #tpu.memory_space<vmem>>
      %dma_wait3A_215 = tpu.memref_squeeze %dma_wait3A_214 : memref<1x8x2048xf32, #tpu.memory_space<vmem>> -> memref<8x2048xf32, #tpu.memory_space<vmem>>
      %dma_wait3A_216 = arith.constant 0 : i32
      %dma_wait3A_217 = arith.constant 0 : i32
      %dma_wait3A_218 = tpu.memref_slice %arg3[%dma_wait3A_216, %dma_wait3A_217] : memref<151936x2048xf32, #tpu.memory_space<hbm>> -> memref<8x2048xf32, #tpu.memory_space<hbm>>
      tpu.wait_dma2 semaphore(%arg10 : memref<!tpu.dma_semaphore, #tpu.memory_space<semaphore_mem>>) src(%dma_wait3A_218 : memref<8x2048xf32, #tpu.memory_space<hbm>>) dst(%dma_wait3A_215 : memref<8x2048xf32, #tpu.memory_space<vmem>>)
      %mul3A_219 = arith.constant 8 : i32
      %mul3A_220 = arith.muli %add3A_191, %mul3A_219 : i32
      %add3A_221 = arith.addi %mul3A_2, %mul3A_220 : i32
      %dma_start3A_222 = arith.constant 3 : i32
      %dma_start3A_223 = arith.constant 0 : i32
      %dma_start3A_224 = arith.constant 0 : i32
      %dma_start3A_225 = tpu.memref_slice %arg6[%dma_start3A_222, %dma_start3A_223, %dma_start3A_224] : memref<4x8x2048xf32, #tpu.memory_space<vmem>> -> memref<1x8x2048xf32, #tpu.memory_space<vmem>>
      %dma_start3A_226 = tpu.memref_squeeze %dma_start3A_225 : memref<1x8x2048xf32, #tpu.memory_space<vmem>> -> memref<8x2048xf32, #tpu.memory_space<vmem>>
      %dma_start3A_227 = arith.constant 0 : i32
      %dma_start3A_228 = tpu.memref_slice %arg4[%add3A_221, %dma_start3A_227] : memref<8192x2048xf32, #tpu.memory_space<hbm>> -> memref<8x2048xf32, #tpu.memory_space<hbm>>
      %dma_start3A_229 = arith.constant 0 : i32
      %dma_start3A_230 = tpu.memref_slice %arg4[%add3A_221, %dma_start3A_229] : memref<8192x2048xf32, #tpu.memory_space<hbm>> -> memref<8x2048xf32, #tpu.memory_space<hbm>>
      %dma_start3A_231 = arith.constant 0 : i32
      %dma_start3A_232 = arith.constant 0 : i32
      %dma_start3A_233 = tpu.memref_slice %arg6[%dma_start3A_222, %dma_start3A_231, %dma_start3A_232] : memref<4x8x2048xf32, #tpu.memory_space<vmem>> -> memref<1x8x2048xf32, #tpu.memory_space<vmem>>
      %dma_start3A_234 = tpu.memref_squeeze %dma_start3A_233 : memref<1x8x2048xf32, #tpu.memory_space<vmem>> -> memref<8x2048xf32, #tpu.memory_space<vmem>>
      tpu.enqueue_dma source(%dma_start3A_234 : memref<8x2048xf32, #tpu.memory_space<vmem>>) target(%dma_start3A_230 : memref<8x2048xf32, #tpu.memory_space<hbm>>) target_semaphore(%arg14 : memref<!tpu.dma_semaphore, #tpu.memory_space<semaphore_mem>>)
    }
    %scan3A_41 = arith.constant 8 : i32
    %dma_wait3A = arith.constant 3 : i32
    %dma_wait3A_42 = arith.constant 0 : i32
    %dma_wait3A_43 = arith.constant 0 : i32
    %dma_wait3A_44 = tpu.memref_slice %arg6[%dma_wait3A, %dma_wait3A_42, %dma_wait3A_43] : memref<4x8x2048xf32, #tpu.memory_space<vmem>> -> memref<1x8x2048xf32, #tpu.memory_space<vmem>>
    %dma_wait3A_45 = tpu.memref_squeeze %dma_wait3A_44 : memref<1x8x2048xf32, #tpu.memory_space<vmem>> -> memref<8x2048xf32, #tpu.memory_space<vmem>>
    %dma_wait3A_46 = arith.constant 0 : i32
    %dma_wait3A_47 = tpu.memref_slice %arg4[%mul3A_2, %dma_wait3A_46] : memref<8192x2048xf32, #tpu.memory_space<hbm>> -> memref<8x2048xf32, #tpu.memory_space<hbm>>
    %dma_wait3A_48 = arith.constant 0 : i32
    %dma_wait3A_49 = tpu.memref_slice %arg4[%mul3A_2, %dma_wait3A_48] : memref<8192x2048xf32, #tpu.memory_space<hbm>> -> memref<8x2048xf32, #tpu.memory_space<hbm>>
    %dma_wait3A_50 = arith.constant 0 : i32
    %dma_wait3A_51 = arith.constant 0 : i32
    %dma_wait3A_52 = tpu.memref_slice %arg6[%dma_wait3A, %dma_wait3A_50, %dma_wait3A_51] : memref<4x8x2048xf32, #tpu.memory_space<vmem>> -> memref<1x8x2048xf32, #tpu.memory_space<vmem>>
    %dma_wait3A_53 = tpu.memref_squeeze %dma_wait3A_52 : memref<1x8x2048xf32, #tpu.memory_space<vmem>> -> memref<8x2048xf32, #tpu.memory_space<vmem>>
    tpu.wait_dma2 semaphore(%arg14 : memref<!tpu.dma_semaphore, #tpu.memory_space<semaphore_mem>>) src(%dma_wait3A_53 : memref<8x2048xf32, #tpu.memory_space<vmem>>) dst(%dma_wait3A_49 : memref<8x2048xf32, #tpu.memory_space<hbm>>)
    return
  }
}

</mosaic_0001>

<sc_bundles>
// kernel: kernel.3.cloned.1.call-start
scs
__scs_entry_jumppad:
0x0: {  	(pc) =	sbr.rel $0x88, $3  }
0x1: {  	(tag) =	ssettag $0x0;
	lr =	simm.s32 $0x1  }
0x2: {  	[smem:$0x3F9F] =	sst lr;
	_ =	strace $0xD0000000  }
0x3: {  	_ = 	snop  }
0x4: {  	_ = 	snop  }
0x5: {  	_ = 	snop  }
0x6: {  	_ = 	snop  }
0x7: {  	_ = 	snop  }
__scs_overlays_trampoline_lowered:
0x8: {  	[smem:$0x3FAE] =	sst s0  }
0x9: {  	[smem:$0x3FAF] =	sst s1  }
0xa: {  	[smem:$0x3FB0] =	sst s2  }
0xb: {  	[smem:$0x3FB1] =	sst s3  }
0xc: {  	[smem:$0x3FB2] =	sst s4  }
0xd: {  	[smem:$0x3FB3] =	sst s5  }
0xe: {  	[smem:$0x3FB4] =	sst s6  }
0xf: {  	[smem:$0x3FB5] =	sst s7  }
0x10: {  	[smem:$0x3FB6] =	sst s8  }
0x11: {  	[smem:$0x3FB7] =	sst s9;
	s0 =	simm.s32 @!p0 $0x0  }
0x12: {  	s1 =	sld [smem:$0x3F9D];
	s0 =	simm.s32 @p0 $0x1  }
0x13: {  	[smem:$0x3FB8] =	sst s0;
	s0 =	simm.s32 @!p1 $0x0  }
0x14: {  	s2 =	sld [smem:$0x3F9C];
	s0 =	simm.s32 @p1 $0x1  }
0x15: {  	[smem:$0x3FB9] =	sst s0;
	s0 =	simm.s32 @!p2 $0x0  }
0x16: {  	s3 =	sld [smem:$0x3FDB];
	s0 =	simm.s32 @p2 $0x1  }
0x17: {  	s4 =	simm.s32 $0x1BF5;
	[smem:$0x3FBB] =	sst s0  }
0x18: {  	s0 =	sld [smem:$0x3F9E];
	_ =	swait.ge [sflag:s4], $0x0  }
0x19: {  	s7 =	sld [smem:$0x3F9F]  }
0x1a: {  	s8 =	sadd.s32 $0xFFFFE003, lr  }
0x1b: {  	s9 =	sadd.s32 $0xFFFFFEF7, lr;
	s5 =	simm.s32 $0xFFFFFFFF;
	p2 =	slt.u32 s8, $0xFFFFF086  }
0x1c: {  	p1 =	slt.u32 s9, $0xF7A;
	s5 =	simm.s32 @!p2 $0x0  }
0x1d: {  	s5 =	simm.s32 @p1 $0x1;
	p0 =	seq.s32 s7, s2  }
0x1e: {  	s7 =	smul.u32 @!p0 $0xF7A, s2;
	p2 =	seq.s32 @!p0 s5, $0x0  }
0x1f: {  	s9 =	smul.u32 $0xF7A, s1;
	s8 =	simm.s32 @!p0 $0x1BF5;
	p2 =	por !p2, p0  }
0x20: {  	[sflag:s8] =	ssyncset.s32 @!p0 $0xFFFFF086;
	s6 =	sadd.s32 @!p0 s3, s7;
	s7 =	simm.s32 @!p0 $0x108  }
0x21: {  	s3 =	sadd.s32 s3, s9;
	s6 =	sadd.s32 @!p0 $0x88, s6;
	s7 =	simm.s32 @p2 $0x1082  }
0x22: {  	[simem:s7], [sflag:s8] =	dma.local @!p0 [hbm:s6], $0xF7A  }
0x23: {  	s9 =	sor.u32 $0xD0000000, s2;
	s6 =	simm.s32 $0x108;
	_ =	swait.ge @!p0 [sflag:s8], $0x0  }
0x24: {  	s3 =	sadd.s32 $0x88, s3;
	s6 =	simm.s32 @!p1 $0x1082;
	[sflag:s4] =	ssyncset.s32 $0xFFFFF086  }
0x25: {  	[simem:s6], [sflag:s4] =	dma.local [hbm:s3], $0xF7A  }
0x26: {  	[smem:$0x3F9F] =	sst s1;
	(tag) =	ssettag s2;
	_ =	strace s9  }
0x27: {  	s1 =	sld [smem:$0x3FAF]  }
0x28: {  	s2 =	sld [smem:$0x3FB0]  }
0x29: {  	s4 =	sld [smem:$0x3FB2]  }
0x2a: {  	p0 =	seq.s32 s5, $0x0;
	s5 =	sld [smem:$0x3FB3]  }
0x2b: {  	s6 =	sld [smem:$0x3FB4]  }
0x2c: {  	s7 =	sld [smem:$0x3FB5]  }
0x2d: {  	s3 =	simm.s32 $0x108;
	s8 =	sld [smem:$0x3FB6]  }
0x2e: {  	s3 =	simm.s32 @!p0 $0x1082;
	s9 =	sld [smem:$0x3FB7]  }
0x2f: {  	lr =	sadd.s32 s0, s3;
	s0 =	sld [smem:$0x3FAE]  }
0x30: {  	s3 =	sld [smem:$0x3FB1]  }
0x31: {  	[smem:$0x3FBA] =	sst s10  }
0x32: {  	s10 =	sld [smem:$0x3FB8];
	_ =	sdelay $0x3  }
0x33: {  	p0 =	seq.s32 s10, $0x1;
	s10 =	sld [smem:$0x3FBA];
	_ =	sdelay $0x3  }
0x34: {  	[smem:$0x3FBA] =	sst s10  }
0x35: {  	s10 =	sld [smem:$0x3FB9];
	_ =	sdelay $0x3  }
0x36: {  	p1 =	seq.s32 s10, $0x1;
	s10 =	sld [smem:$0x3FBA];
	_ =	sdelay $0x3  }
0x37: {  	[smem:$0x3FBA] =	sst s10  }
0x38: {  	s10 =	sld [smem:$0x3FBB]  }
0x39: {  	_ = 	snop;
	(pc) =	sbr.ind lr, $3  }
0x3a: {  	_ = 	snop  }
0x3b: {  	_ = 	snop  }
0x3c: {  	p2 =	seq.s32 s10, $0x1;
	s10 =	sld [smem:$0x3FBA]  }
0x3d: {  	_ =	shalt  }
0x3e: {  	_ =	shalt  }
0x3f: {  	_ =	shalt  }
0x40: {  	_ =	shalt  }
0x41: {  	_ =	shalt  }
0x42: {  	_ =	shalt  }
0x43: {  	_ =	shalt  }
0x44: {  	_ =	shalt  }
0x45: {  	_ =	shalt  }
0x46: {  	_ =	shalt  }
0x47: {  	_ =	shalt  }
0x48: {  	_ =	shalt  }
0x49: {  	_ =	shalt  }
0x4a: {  	_ =	shalt  }
0x4b: {  	_ =	shalt  }
0x4c: {  	_ =	shalt  }
0x4d: {  	_ =	shalt  }
0x4e: {  	_ =	shalt  }
0x4f: {  	_ =	shalt  }
0x50: {  	_ =	shalt  }
0x51: {  	_ =	shalt  }
0x52: {  	_ =	shalt  }
0x53: {  	_ =	shalt  }
0x54: {  	_ =	shalt  }
0x55: {  	_ =	shalt  }
0x56: {  	_ =	shalt  }
0x57: {  	_ =	shalt  }
0x58: {  	_ =	shalt  }
0x59: {  	_ =	shalt  }
0x5a: {  	_ =	shalt  }
0x5b: {  	_ =	shalt  }
0x5c: {  	_ =	shalt  }
0x5d: {  	_ =	shalt  }
0x5e: {  	_ =	shalt  }
0x5f: {  	_ =	shalt  }
0x60: {  	_ =	shalt  }
0x61: {  	_ =	shalt  }
0x62: {  	_ =	shalt  }
0x63: {  	_ =	shalt  }
0x64: {  	_ =	shalt  }
0x65: {  	_ =	shalt  }
0x66: {  	_ =	shalt  }
0x67: {  	_ =	shalt  }
0x68: {  	_ =	shalt  }
0x69: {  	_ =	shalt  }
0x6a: {  	_ =	shalt  }
0x6b: {  	_ =	shalt  }
0x6c: {  	_ =	shalt  }
0x6d: {  	_ =	shalt  }
0x6e: {  	_ =	shalt  }
0x6f: {  	_ =	shalt  }
0x70: {  	_ =	shalt  }
0x71: {  	_ =	shalt  }
0x72: {  	_ =	shalt  }
0x73: {  	_ =	shalt  }
0x74: {  	_ =	shalt  }
0x75: {  	_ =	shalt  }
0x76: {  	_ =	shalt  }
0x77: {  	_ =	shalt  }
0x78: {  	_ =	shalt  }
0x79: {  	_ =	shalt  }
0x7a: {  	_ =	shalt  }
0x7b: {  	_ =	shalt  }
0x7c: {  	_ =	shalt  }
0x7d: {  	_ =	shalt  }
0x7e: {  	_ =	shalt  }
0x7f: {  	_ =	shalt  }
0x80: {  	_ =	shalt  }
0x81: {  	_ =	shalt  }
0x82: {  	_ =	shalt  }
0x83: {  	_ =	shalt  }
0x84: {  	_ =	shalt  }
0x85: {  	_ =	shalt  }
0x86: {  	_ =	shalt  }
0x87: {  	_ =	shalt  }
.Lfunc_end0:
.L_simem_size_0:
called_computation_lowered:
.L_overlay_start_0:
0x88: {  	s2 =	sld [smem:$0x3FD9]  }
0x89: {  	s3 =	sld [smem:$0x3FFE];
	_ =	sdelay $0x1  }
0x8a: {  	s1 =	srdreg.scid  }
0x8b: {  	s0 =	sand.u32 $0x1, s1  }
0x8c: {  	s17 =	sshll.u32 s0, $0xA;
	s2 =	sadd.s32 s3, s2  }
0x8d: {  	s2 =	sadd.s32 s2, s17  }
0x8e: {  	[smem:$0x3FC6] =	sst s2  }
0x8f: {  	_ = 	snop  }
0x90: {  	s2 =	sld [smem:$0x3FC8]  }
0x91: {  	s18 =	sld [smem:$0x3FD0];
	(tm) =	ssettm $0x1  }
0x92: {  	s4 =	sld [smem:$0x3FFB];
	_ =	sdelay $0x3  }
0x93: {  	_ =	strace s4  }
0x94: {  	s4 =	sld [smem:$0x3FFC];
	_ =	sdelay $0x3  }
0x95: {  	_ =	strace s4  }
0x96: {  	s4 =	sld [smem:$0x3FFD];
	_ =	sdelay $0x3  }
0x97: {  	_ =	strace s4  }
0x98: {  	_ =	strace $0x8FFFFFFF  }
0x99: {  	s19 =	sld [smem:$0x3FDB];
	_ =	sdelay $0x1  }
0x9a: {  	s5 =	simm.s32 $_scs_section_size  }
0x9b: {  	s6 =	simm.s32 $_size__tile_overlayer_lowered;
	s7 =	simm.s32 $_tile_overlayer_lowered  }
0x9c: {  	s22 =	simm.s32 $0x1BFF;
	s21 =	sshll.u32 s7, $0x1;
	s4 =	sadd.s32 s5, s19  }
0x9d: {  	s8 =	simm.s32 $0x0;
	s20 =	sshll.u32 s6, $0x1;
	s6 =	sadd.s32 s21, s4  }
0x9e: {  	[timem:s8], [sflag:s22] =	dma.local [hbm:s6], s20  }
0x9f: {  	_ =	swait.ge [sflag:s22], s20  }
0xa0: {  	s5 =	ssub.s32 $0x0, s20;
	[sflag:s22] =	ssyncset.done $0x0  }
0xa1: {  	[sflag:s22] =	ssyncadd.s32 s5;
	_ =	sdelay $0x1  }
0xa2: {  	s23 =	simm.s32 $0x1B8B  }
0xa3: {  	_ =	swait.ge [sflag:s23], $0x1  }
0xa4: {  	[sflag:s23] =	ssyncset.done $0x0  }
0xa5: {  	s25 =	simm.s32 $0x1B8E;
	s24 =	sld [smem:$0x3FFE];
	[sflag:s23] =	ssyncadd.s32 $0xFFFFFFFF  }
0xa6: {  	s26 =	simm.s32 $execute0_lowered;
	[smem:$0x3FD2] =	sst s25  }
0xa7: {  	s6 =	sshll.u32 s26, $0x1;
	_ =	strace $0x80000046;
	[dreg:$0x1] =	wrdreg $0xFFFFFFFF  }
0xa8: {  	s28 =	simm.s32 $_size_execute0_lowered;
	s4 =	sadd.s32 s4, s6;
	[dreg:$0x0] =	wrdreg $0x0  }
0xa9: {  	s6 =	sshll.u32 s28, $0x1;
	[dreg:$0x2] =	wrdreg s4  }
0xaa: {  	[dreg:$0x3] =	wrdreg s6  }
0xab: {  	[dreg:$0x4] =	wrdreg $0xC0  }
0xac: {  	_ =	task [dreg:s8], $0x5FFFF  }
0xad: {  	[dreg:$0x1] =	wrdreg $0xFFFFFFFF  }
0xae: {  	[dreg:$0x0] =	wrdreg $0x60  }
0xaf: {  	[dreg:$0x2] =	wrdreg s24  }
0xb0: {  	[dreg:$0x3] =	wrdreg s2  }
0xb1: {  	[dreg:$0x4] =	wrdreg s18  }
0xb2: {  	[dreg:$0x5] =	wrdreg $0x9  }
0xb3: {  	_ =	task.clear_ibuf [dreg:s8], $0x6FFFF;
	_ =	strace $0x90000046  }
0xb4: {  	s29 =	simm.s32 $0x9;
	_ =	strace $0x80000048  }
0xb5: {  	_ =	swait.ge [sflag:s29], $0x1  }
0xb6: {  	[sflag:s29] =	ssyncadd.s32 $0xFFFFFFFF  }
0xb7: {  	_ =	strace $0x90000048  }
0xb8: {  	_ =	sfence  }
0xb9: {  	s30 =	sld [smem:$0x0];
	_ =	sdelay $0x2  }
0xba: {  	s31 =	sshll.u32 s1, $0xD;
	s1 =	sshrl.u32 s1, $0x2  }
0xbb: {  	s3 =	sand.u32 $0x4000, s31;
	s1 =	sadd.s32 s1, s30  }
0xbc: {  	s0 =	sor.u32 s3, s0;
	s1 =	sshll.u32 s1, $0x11  }
0xbd: {  	s0 =	sor.u32 s1, s0  }
0xbe: {  	s0 =	sadd.s32 $0x8F2B, s0  }
0xbf: {  	[sflag:s0] =	ssyncadd.remote.s32 $0x1  }
0xc0: {  	_ =	sfence.sel $0xFFFF  }
0xc1: {  	[dreg:$0x0] =	wrdreg $0xFFFFFFFF;
	(pc) =	sbr.abs _section_cstart, $3  }
0xc2: {  	[dreg:$0x1] =	wrdreg $0xFFFFFFFF  }
0xc3: {  	_ =	task.clear_ibuf [dreg:s8], $0x2FFFF;
	_ =	strace $0x9FFFFFFF  }
0xc4: {  	(tm) =	ssettm $0x7FFFFFFF  }
0xc5: {  	_ =	shalt  }
tec
execute0_lowered:
.L_overlay_start_1:
0x0: {  	(tag) =	ssettag $0x1  }
0x1: {  	s0 =	rddreg [dreg:$0x0]  }
0x2: {  	s1 =	rddreg [dreg:$0x1]  }
0x3: {  	s2 =	rddreg [dreg:$0x2];
	s4 =	srdreg.scid;
	s3 =	simm.s32 $0x0  }
0x4: {  	s9 =	stileid.u32;
	s13 =	simm.s32 $0x9;
	s14 =	simm.s32 $0x1000  }
0x5: {  	s20 =	simm.s32 $0xD800;
	s21 =	simm.s32 $0xE000;
	s22 =	simm.s32 $0xE800  }
0x6: {  	s23 =	simm.s32 $0xF000;
	s24 =	simm.s32 $0xF800;
	s25 =	simm.s32 $0x10000  }
0x7: {  	s26 =	simm.s32 $0x10800;
	s31 =	simm.s32 $0x9000;
	s28 =	simm.s32 $0x7  }
0x8: {  	s29 =	simm.s32 $0x4;
	s30 =	simm.s32 $0x8;
	[smem:$0x7FF] =	sst s3  }
0x9: {  	s10 =	sand.u32 $0x1, s4;
	_ =	strace $0x80000047;
	[dreg:$0x5] =	wrdreg s20  }
0xa: {  	s16 =	sshll.u32 s9, $0xA;
	s7 =	sadd.s32 $0x300, s1;
	[dreg:$0x6] =	wrdreg s21  }
0xb: {  	s8 =	sadd.s32 $0x400, s1;
	s18 =	sshll.u32 s9, $0x11;
	[dreg:$0x7] =	wrdreg s22  }
0xc: {  	s9 =	sadd.s32 $0x500, s1;
	s11 =	sadd.s32 $0x700, s1;
	[dreg:$0x8] =	wrdreg s23  }
0xd: {  	s5 =	sshll.u32 s10, $0x9;
	s6 =	ssub.s32 $0x2, s10;
	[dreg:$0x9] =	wrdreg s24  }
0xe: {  	s19 =	sshll.u32 s10, $0x10;
	s10 =	sadd.s32 $0x600, s1;
	[dreg:$0xa] =	wrdreg s25  }
0xf: {  	s22 =	simm.s32 $0x5000;
	[dreg:$0xb] =	wrdreg s26;
	s20 =	simm.s32 $0xD000  }
0x10: {  	s21 =	simm.s32 $0x1;
	s23 =	simm.s32 $0x5;
	s24 =	simm.s32 $0x2  }
0x11: {  	s25 =	simm.s32 $0x6;
	s26 =	simm.s32 $0x3;
	s4 =	sor.u32 s5, s16  }
0x12: {  	s17 =	sshrl.u32 s6, $0x1;
	s5 =	sadd.s32 $0x100, s1;
	s0 =	sadd.s32 s4, s0  }
0x13: {  	v0 =	vlaneseq.u32;
	s12 =	ssub.s32 s6, s17;
	s4 =	sadd.s32 $0x400, s0;
	s0 =	sadd.s32 s18, s2  }
0x14: {  	v1 =	vshrl.u32 v0, $0x3;
	s6 =	sadd.s32 $0x200, s1;
	s12 =	smax.u32 s12, $0x1;
	s0 =	sadd.s32 s19, s0  }
0x15: {  	vm0 =	vmmov $0xffff;
	v0 =	vand.u32 $0x7, v0;
	v1 =	vmul.u32 $0x8, v1;
	s19 =	simm.s32 $0xC800;
	[dreg:$0x4] =	wrdreg s0;
	s0 =	simm.s32 $0x0  }
.LBB2_1:
0x16: {  	[tilespmem:s3], [sflag:$0x9] =	stream.linear.gather [hbm4b:s4+s3], $0x1000, $0x38;
	[tilespmem:$0x11000] =	vst v63  }
0x17: {  	_ =	swait.ge [sflag:s13], $0x1000  }
0x18: {  	[sflag:s13] =	ssyncset.done $0x0  }
0x19: {  	[sflag:s13] =	ssyncadd.s32 $0xFFFFF000  }
0x1a: {  	v2 =	vld.msk [tilespmem:$0x0], $0xff;
	_ =	sdelay $0x4  }
0x1b: {  	v3 =	vshll.u32 v2, $0x4  }
0x1c: {  	v2 =	vand.u32 $0x7, v2;
	v3 =	vand.u32 $0xFFFFFF80, v3  }
0x1d: {  	v2 =	vor.u32 v2, v3  }
0x1e: {  	v2 =	vperm.xlane v2, v0;
	_ =	sdelay $0x1  }
0x1f: {  	v2 =	vadd.s32 v1, v2;
	_ =	sdelay $0x4  }
0x20: {  	[tilespmem:s14], [sflag:$0x1] =	stream.indirect_vreg.gather [hbm4b:s1+s3], $0x80, v2, vm0, $0xb8;
	[tilespmem:$0x11000] =	vst v63  }
0x21: {  	s2 =	simm.s32 $0x1800  }
0x22: {  	[tilespmem:s2], [sflag:$0x1] =	stream.indirect_vreg.gather [hbm4b:s5+s3], $0x80, v2, vm0, $0xb8;
	[tilespmem:$0x11000] =	vst v63  }
0x23: {  	s16 =	simm.s32 $0x2000  }
0x24: {  	[tilespmem:s16], [sflag:$0x1] =	stream.indirect_vreg.gather [hbm4b:s6+s3], $0x80, v2, vm0, $0xb8;
	[tilespmem:$0x11000] =	vst v63  }
0x25: {  	s17 =	simm.s32 $0x2800  }
0x26: {  	[tilespmem:s17], [sflag:$0x1] =	stream.indirect_vreg.gather [hbm4b:s7+s3], $0x80, v2, vm0, $0xb8;
	[tilespmem:$0x11000] =	vst v63  }
0x27: {  	s18 =	simm.s32 $0x3000  }
0x28: {  	[tilespmem:s18], [sflag:$0x1] =	stream.indirect_vreg.gather [hbm4b:s8+s3], $0x80, v2, vm0, $0xb8;
	[tilespmem:$0x11000] =	vst v63  }
0x29: {  	s15 =	simm.s32 $0x3800  }
0x2a: {  	[tilespmem:s15], [sflag:$0x1] =	stream.indirect_vreg.gather [hbm4b:s9+s3], $0x80, v2, vm0, $0xb8;
	[tilespmem:$0x11000] =	vst v63  }
0x2b: {  	s16 =	simm.s32 $0x4000  }
0x2c: {  	[tilespmem:s16], [sflag:$0x1] =	stream.indirect_vreg.gather [hbm4b:s10+s3], $0x80, v2, vm0, $0xb8;
	[tilespmem:$0x11000] =	vst v63  }
0x2d: {  	s17 =	simm.s32 $0x4800  }
0x2e: {  	[tilespmem:s17], [sflag:$0x1] =	stream.indirect_vreg.gather [hbm4b:s11+s3], $0x80, v2, vm0, $0xb8;
	[tilespmem:$0x11000] =	vst v63  }
0x2f: {  	v2 =	vld.msk [tilespmem:$0x80], $0xff;
	_ =	sdelay $0x4  }
0x30: {  	v3 =	vshll.u32 v2, $0x4  }
0x31: {  	v2 =	vand.u32 $0x7, v2;
	v3 =	vand.u32 $0xFFFFFF80, v3  }
0x32: {  	v2 =	vor.u32 v2, v3  }
0x33: {  	v2 =	vperm.xlane v2, v0;
	_ =	sdelay $0x1  }
0x34: {  	v2 =	vadd.s32 v1, v2;
	_ =	sdelay $0x4  }
0x35: {  	[tilespmem:s22], [sflag:$0x2] =	stream.indirect_vreg.gather [hbm4b:s1+s3], $0x80, v2, vm0, $0xb8;
	[tilespmem:$0x11000] =	vst v63  }
0x36: {  	s18 =	simm.s32 $0x5800  }
0x37: {  	[tilespmem:s18], [sflag:$0x2] =	stream.indirect_vreg.gather [hbm4b:s5+s3], $0x80, v2, vm0, $0xb8;
	[tilespmem:$0x11000] =	vst v63  }
0x38: {  	s15 =	simm.s32 $0x6000  }
0x39: {  	[tilespmem:s15], [sflag:$0x2] =	stream.indirect_vreg.gather [hbm4b:s6+s3], $0x80, v2, vm0, $0xb8;
	[tilespmem:$0x11000] =	vst v63  }
0x3a: {  	s16 =	simm.s32 $0x6800  }
0x3b: {  	[tilespmem:s16], [sflag:$0x2] =	stream.indirect_vreg.gather [hbm4b:s7+s3], $0x80, v2, vm0, $0xb8;
	[tilespmem:$0x11000] =	vst v63  }
0x3c: {  	s17 =	simm.s32 $0x7000  }
0x3d: {  	[tilespmem:s17], [sflag:$0x2] =	stream.indirect_vreg.gather [hbm4b:s8+s3], $0x80, v2, vm0, $0xb8;
	[tilespmem:$0x11000] =	vst v63  }
0x3e: {  	s18 =	simm.s32 $0x7800  }
0x3f: {  	[tilespmem:s18], [sflag:$0x2] =	stream.indirect_vreg.gather [hbm4b:s9+s3], $0x80, v2, vm0, $0xb8;
	[tilespmem:$0x11000] =	vst v63  }
0x40: {  	s15 =	simm.s32 $0x8000  }
0x41: {  	[tilespmem:s15], [sflag:$0x2] =	stream.indirect_vreg.gather [hbm4b:s10+s3], $0x80, v2, vm0, $0xb8;
	[tilespmem:$0x11000] =	vst v63  }
0x42: {  	s16 =	simm.s32 $0x8800  }
0x43: {  	[tilespmem:s16], [sflag:$0x2] =	stream.indirect_vreg.gather [hbm4b:s11+s3], $0x80, v2, vm0, $0xb8;
	[tilespmem:$0x11000] =	vst v63  }
0x44: {  	v2 =	vld.msk [tilespmem:$0x100], $0xff;
	_ =	sdelay $0x4  }
0x45: {  	v3 =	vshll.u32 v2, $0x4  }
0x46: {  	v2 =	vand.u32 $0x7, v2;
	v3 =	vand.u32 $0xFFFFFF80, v3  }
0x47: {  	v2 =	vor.u32 v2, v3  }
0x48: {  	v2 =	vperm.xlane v2, v0;
	_ =	sdelay $0x1  }
0x49: {  	v2 =	vadd.s32 v1, v2;
	_ =	sdelay $0x4  }
0x4a: {  	[tilespmem:s31], [sflag:$0x3] =	stream.indirect_vreg.gather [hbm4b:s1+s3], $0x80, v2, vm0, $0xb8;
	[tilespmem:$0x11000] =	vst v63  }
0x4b: {  	s17 =	simm.s32 $0x9800  }
0x4c: {  	[tilespmem:s17], [sflag:$0x3] =	stream.indirect_vreg.gather [hbm4b:s5+s3], $0x80, v2, vm0, $0xb8;
	[tilespmem:$0x11000] =	vst v63  }
0x4d: {  	s18 =	simm.s32 $0xA000  }
0x4e: {  	[tilespmem:s18], [sflag:$0x3] =	stream.indirect_vreg.gather [hbm4b:s6+s3], $0x80, v2, vm0, $0xb8;
	[tilespmem:$0x11000] =	vst v63  }
0x4f: {  	s15 =	simm.s32 $0xA800  }
0x50: {  	[tilespmem:s15], [sflag:$0x3] =	stream.indirect_vreg.gather [hbm4b:s7+s3], $0x80, v2, vm0, $0xb8;
	[tilespmem:$0x11000] =	vst v63  }
0x51: {  	s16 =	simm.s32 $0xB000  }
0x52: {  	[tilespmem:s16], [sflag:$0x3] =	stream.indirect_vreg.gather [hbm4b:s8+s3], $0x80, v2, vm0, $0xb8;
	[tilespmem:$0x11000] =	vst v63  }
0x53: {  	s17 =	simm.s32 $0xB800  }
0x54: {  	[tilespmem:s17], [sflag:$0x3] =	stream.indirect_vreg.gather [hbm4b:s9+s3], $0x80, v2, vm0, $0xb8;
	[tilespmem:$0x11000] =	vst v63  }
0x55: {  	s18 =	simm.s32 $0xC000  }
0x56: {  	[tilespmem:s18], [sflag:$0x3] =	stream.indirect_vreg.gather [hbm4b:s10+s3], $0x80, v2, vm0, $0xb8;
	[tilespmem:$0x11000] =	vst v63  }
0x57: {  	s2 =	simm.s32 $0x300;
	s15 =	simm.s32 $0x0  }
0x58: {  	[tilespmem:s19], [sflag:$0x3] =	stream.indirect_vreg.gather [hbm4b:s11+s3], $0x80, v2, vm0, $0xb8;
	[tilespmem:$0x11000] =	vst v63  }
.LBB2_2:
0x59: {  	p0 =	seq.s32 s15, $0x0  }
0x5a: {  	s16 =	simm.s32 @!p0 $0x8  }
0x5b: {  	_ =	swait.ge @!p0 [sflag:s16], $0x4000  }
0x5c: {  	[sflag:s16] =	ssyncset.done @!p0 $0x0  }
0x5d: {  	[sflag:s16] =	ssyncadd.s32 @!p0 $0xFFFFC000  }
0x5e: {  	v2 =	vld.msk [tilespmem:s2+$0xFFFFFE80], $0xff;
	_ =	sdelay $0x4  }
0x5f: {  	v3 =	vshll.u32 v2, $0x4  }
0x60: {  	v2 =	vand.u32 $0x7, v2;
	v3 =	vand.u32 $0xFFFFFF80, v3  }
0x61: {  	v2 =	vor.u32 v2, v3  }
0x62: {  	v2 =	vperm.xlane v2, v0;
	_ =	sdelay $0x1  }
0x63: {  	v2 =	vadd.s32 v1, v2;
	_ =	sdelay $0x4  }
0x64: {  	[tilespmem:s20], [sflag:$0x4] =	stream.indirect_vreg.gather [hbm4b:s1+s3], $0x80, v2, vm0, $0xb8;
	[tilespmem:$0x11000] =	vst v63  }
0x65: {  	s18 =	rddreg [dreg:$0x5]  }
0x66: {  	[tilespmem:s18], [sflag:$0x4] =	stream.indirect_vreg.gather [hbm4b:s5+s3], $0x80, v2, vm0, $0xb8;
	[tilespmem:$0x11000] =	vst v63  }
0x67: {  	s17 =	rddreg [dreg:$0x6]  }
0x68: {  	[tilespmem:s17], [sflag:$0x4] =	stream.indirect_vreg.gather [hbm4b:s6+s3], $0x80, v2, vm0, $0xb8;
	[tilespmem:$0x11000] =	vst v63  }
0x69: {  	s18 =	rddreg [dreg:$0x7]  }
0x6a: {  	[tilespmem:s18], [sflag:$0x4] =	stream.indirect_vreg.gather [hbm4b:s7+s3], $0x80, v2, vm0, $0xb8;
	[tilespmem:$0x11000] =	vst v63  }
0x6b: {  	s17 =	rddreg [dreg:$0x8]  }
0x6c: {  	[tilespmem:s17], [sflag:$0x4] =	stream.indirect_vreg.gather [hbm4b:s8+s3], $0x80, v2, vm0, $0xb8;
	[tilespmem:$0x11000] =	vst v63  }
0x6d: {  	s18 =	rddreg [dreg:$0x9]  }
0x6e: {  	[tilespmem:s18], [sflag:$0x4] =	stream.indirect_vreg.gather [hbm4b:s9+s3], $0x80, v2, vm0, $0xb8;
	[tilespmem:$0x11000] =	vst v63  }
0x6f: {  	s17 =	rddreg [dreg:$0xa]  }
0x70: {  	[tilespmem:s17], [sflag:$0x4] =	stream.indirect_vreg.gather [hbm4b:s10+s3], $0x80, v2, vm0, $0xb8;
	[tilespmem:$0x11000] =	vst v63  }
0x71: {  	s18 =	rddreg [dreg:$0xb]  }
0x72: {  	[tilespmem:s18], [sflag:$0x4] =	stream.indirect_vreg.gather [hbm4b:s11+s3], $0x80, v2, vm0, $0xb8;
	[tilespmem:$0x11000] =	vst v63  }
0x73: {  	_ =	swait.ge [sflag:s21], $0x4000  }
0x74: {  	s18 =	rddreg [dreg:$0x4];
	[sflag:s21] =	ssyncset.done $0x0  }
0x75: {  	[sflag:s21] =	ssyncadd.s32 $0xFFFFC000;
	s16 =	sadd.s32 s15, s18  }
0x76: {  	[hbm4b:s16+s3] =	stream.linear.scatter [tilespmem:s14], [sflag:$0x5], $0x4000, $0x38;
	[tilespmem:$0x11000] =	vst v63  }
0x77: {  	_ =	swait.ge [sflag:s23], $0x4000  }
0x78: {  	[sflag:s23] =	ssyncset.done $0x0  }
0x79: {  	p0 =	seq.s32 s15, $0xE000;
	[sflag:s23] =	ssyncadd.s32 $0xFFFFC000  }
0x7a: {  	v2 =	vld.msk @!p0 [tilespmem:s2+$0xFFFFFF00], $0xff;
	_ =	sdelay $0x4  }
0x7b: {  	v3 =	vshll.u32 @!p0 v2, $0x4  }
0x7c: {  	v4 =	vlaneseq.u32 @!p0;
	v2 =	vand.u32 @!p0 $0x7, v2;
	v3 =	vand.u32 @!p0 $0xFFFFFF80, v3  }
0x7d: {  	v2 =	vor.u32 @!p0 v2, v3;
	v3 =	vand.u32 @!p0 $0x7, v4;
	v4 =	vshrl.u32 @!p0 v4, $0x3  }
0x7e: {  	v2 =	vperm.xlane @!p0 v2, v3;
	v4 =	vmul.u32 @!p0 $0x8, v4;
	_ =	sdelay $0x1  }
0x7f: {  	v2 =	vadd.s32 @!p0 v4, v2;
	_ =	sdelay $0x3  }
0x80: {  	vm1 =	vmmov @!p0 $0xffff;
	s17 =	simm.s32 @!p0 $0x0;
	s18 =	simm.s32 @!p0 $0x1000  }
0x81: {  	[tilespmem:s18], [sflag:$0x1] =	stream.indirect_vreg.gather @!p0 [hbm4b:s1+s17], $0x80, v2, vm1, $0xb8;
	[tilespmem:$0x11000] =	vst v63  }
0x82: {  	s18 =	simm.s32 @!p0 $0x1800  }
0x83: {  	[tilespmem:s18], [sflag:$0x1] =	stream.indirect_vreg.gather @!p0 [hbm4b:s5+s17], $0x80, v2, vm1, $0xb8;
	[tilespmem:$0x11000] =	vst v63  }
0x84: {  	s18 =	simm.s32 @!p0 $0x2000  }
0x85: {  	[tilespmem:s18], [sflag:$0x1] =	stream.indirect_vreg.gather @!p0 [hbm4b:s6+s17], $0x80, v2, vm1, $0xb8;
	[tilespmem:$0x11000] =	vst v63  }
0x86: {  	s18 =	simm.s32 @!p0 $0x2800  }
0x87: {  	[tilespmem:s18], [sflag:$0x1] =	stream.indirect_vreg.gather @!p0 [hbm4b:s7+s17], $0x80, v2, vm1, $0xb8;
	[tilespmem:$0x11000] =	vst v63  }
0x88: {  	s18 =	simm.s32 @!p0 $0x3000  }
0x89: {  	[tilespmem:s18], [sflag:$0x1] =	stream.indirect_vreg.gather @!p0 [hbm4b:s8+s17], $0x80, v2, vm1, $0xb8;
	[tilespmem:$0x11000] =	vst v63  }
0x8a: {  	s18 =	simm.s32 @!p0 $0x3800  }
0x8b: {  	[tilespmem:s18], [sflag:$0x1] =	stream.indirect_vreg.gather @!p0 [hbm4b:s9+s17], $0x80, v2, vm1, $0xb8;
	[tilespmem:$0x11000] =	vst v63  }
0x8c: {  	s18 =	simm.s32 @!p0 $0x4000  }
0x8d: {  	[tilespmem:s18], [sflag:$0x1] =	stream.indirect_vreg.gather @!p0 [hbm4b:s10+s17], $0x80, v2, vm1, $0xb8;
	[tilespmem:$0x11000] =	vst v63  }
0x8e: {  	s18 =	simm.s32 @!p0 $0x4800  }
0x8f: {  	[tilespmem:s18], [sflag:$0x1] =	stream.indirect_vreg.gather @!p0 [hbm4b:s11+s17], $0x80, v2, vm1, $0xb8;
	[tilespmem:$0x11000] =	vst v63  }
0x90: {  	_ =	swait.ge [sflag:s24], $0x4000  }
0x91: {  	[sflag:s24] =	ssyncset.done $0x0  }
0x92: {  	s18 =	sadd.s32 $0x800, s16;
	[sflag:s24] =	ssyncadd.s32 $0xFFFFC000  }
0x93: {  	[hbm4b:s18+s3] =	stream.linear.scatter [tilespmem:s22], [sflag:$0x6], $0x4000, $0x38;
	[tilespmem:$0x11000] =	vst v63  }
0x94: {  	_ =	swait.ge [sflag:s25], $0x4000  }
0x95: {  	[sflag:s25] =	ssyncset.done $0x0  }
0x96: {  	[sflag:s25] =	ssyncadd.s32 $0xFFFFC000  }
0x97: {  	v2 =	vld.msk @!p0 [tilespmem:s2+$0xFFFFFF80], $0xff;
	_ =	sdelay $0x4  }
0x98: {  	v5 =	vshll.u32 @!p0 v2, $0x4  }
0x99: {  	v2 =	vand.u32 @!p0 $0x7, v2;
	v5 =	vand.u32 @!p0 $0xFFFFFF80, v5  }
0x9a: {  	v2 =	vor.u32 @!p0 v2, v5  }
0x9b: {  	v2 =	vperm.xlane @!p0 v2, v3;
	_ =	sdelay $0x1  }
0x9c: {  	v2 =	vadd.s32 @!p0 v4, v2;
	_ =	sdelay $0x3  }
0x9d: {  	s18 =	simm.s32 @!p0 $0x5000  }
0x9e: {  	[tilespmem:s18], [sflag:$0x2] =	stream.indirect_vreg.gather @!p0 [hbm4b:s1+s17], $0x80, v2, vm1, $0xb8;
	[tilespmem:$0x11000] =	vst v63  }
0x9f: {  	s18 =	simm.s32 @!p0 $0x5800  }
0xa0: {  	[tilespmem:s18], [sflag:$0x2] =	stream.indirect_vreg.gather @!p0 [hbm4b:s5+s17], $0x80, v2, vm1, $0xb8;
	[tilespmem:$0x11000] =	vst v63  }
0xa1: {  	s18 =	simm.s32 @!p0 $0x6000  }
0xa2: {  	[tilespmem:s18], [sflag:$0x2] =	stream.indirect_vreg.gather @!p0 [hbm4b:s6+s17], $0x80, v2, vm1, $0xb8;
	[tilespmem:$0x11000] =	vst v63  }
0xa3: {  	s18 =	simm.s32 @!p0 $0x6800  }
0xa4: {  	[tilespmem:s18], [sflag:$0x2] =	stream.indirect_vreg.gather @!p0 [hbm4b:s7+s17], $0x80, v2, vm1, $0xb8;
	[tilespmem:$0x11000] =	vst v63  }
0xa5: {  	s18 =	simm.s32 @!p0 $0x7000  }
0xa6: {  	[tilespmem:s18], [sflag:$0x2] =	stream.indirect_vreg.gather @!p0 [hbm4b:s8+s17], $0x80, v2, vm1, $0xb8;
	[tilespmem:$0x11000] =	vst v63  }
0xa7: {  	s18 =	simm.s32 @!p0 $0x7800  }
0xa8: {  	[tilespmem:s18], [sflag:$0x2] =	stream.indirect_vreg.gather @!p0 [hbm4b:s9+s17], $0x80, v2, vm1, $0xb8;
	[tilespmem:$0x11000] =	vst v63  }
0xa9: {  	s18 =	simm.s32 @!p0 $0x8000  }
0xaa: {  	[tilespmem:s18], [sflag:$0x2] =	stream.indirect_vreg.gather @!p0 [hbm4b:s10+s17], $0x80, v2, vm1, $0xb8;
	[tilespmem:$0x11000] =	vst v63  }
0xab: {  	s18 =	simm.s32 @!p0 $0x8800  }
0xac: {  	[tilespmem:s18], [sflag:$0x2] =	stream.indirect_vreg.gather @!p0 [hbm4b:s11+s17], $0x80, v2, vm1, $0xb8;
	[tilespmem:$0x11000] =	vst v63  }
0xad: {  	_ =	swait.ge [sflag:s26], $0x4000  }
0xae: {  	[sflag:s26] =	ssyncset.done $0x0  }
0xaf: {  	s18 =	sadd.s32 $0x1000, s16;
	[sflag:s26] =	ssyncadd.s32 $0xFFFFC000  }
0xb0: {  	[hbm4b:s18+s3] =	stream.linear.scatter [tilespmem:s31], [sflag:$0x7], $0x4000, $0x38;
	[tilespmem:$0x11000] =	vst v63  }
0xb1: {  	_ =	swait.ge [sflag:s28], $0x4000  }
0xb2: {  	[sflag:s28] =	ssyncset.done $0x0  }
0xb3: {  	[sflag:s28] =	ssyncadd.s32 $0xFFFFC000  }
0xb4: {  	v2 =	vld.msk @!p0 [tilespmem:s2+$0x0], $0xff;
	_ =	sdelay $0x4  }
0xb5: {  	v5 =	vshll.u32 @!p0 v2, $0x4  }
0xb6: {  	v2 =	vand.u32 @!p0 $0x7, v2;
	v5 =	vand.u32 @!p0 $0xFFFFFF80, v5  }
0xb7: {  	v2 =	vor.u32 @!p0 v2, v5  }
0xb8: {  	v2 =	vperm.xlane @!p0 v2, v3;
	_ =	sdelay $0x1  }
0xb9: {  	v2 =	vadd.s32 @!p0 v4, v2;
	_ =	sdelay $0x3  }
0xba: {  	s18 =	simm.s32 @!p0 $0x9000  }
0xbb: {  	[tilespmem:s18], [sflag:$0x3] =	stream.indirect_vreg.gather @!p0 [hbm4b:s1+s17], $0x80, v2, vm1, $0xb8;
	[tilespmem:$0x11000] =	vst v63  }
0xbc: {  	s18 =	simm.s32 @!p0 $0x9800  }
0xbd: {  	[tilespmem:s18], [sflag:$0x3] =	stream.indirect_vreg.gather @!p0 [hbm4b:s5+s17], $0x80, v2, vm1, $0xb8;
	[tilespmem:$0x11000] =	vst v63  }
0xbe: {  	s18 =	simm.s32 @!p0 $0xA000  }
0xbf: {  	[tilespmem:s18], [sflag:$0x3] =	stream.indirect_vreg.gather @!p0 [hbm4b:s6+s17], $0x80, v2, vm1, $0xb8;
	[tilespmem:$0x11000] =	vst v63  }
0xc0: {  	s18 =	simm.s32 @!p0 $0xA800  }
0xc1: {  	[tilespmem:s18], [sflag:$0x3] =	stream.indirect_vreg.gather @!p0 [hbm4b:s7+s17], $0x80, v2, vm1, $0xb8;
	[tilespmem:$0x11000] =	vst v63  }
0xc2: {  	s18 =	simm.s32 @!p0 $0xB000  }
0xc3: {  	[tilespmem:s18], [sflag:$0x3] =	stream.indirect_vreg.gather @!p0 [hbm4b:s8+s17], $0x80, v2, vm1, $0xb8;
	[tilespmem:$0x11000] =	vst v63  }
0xc4: {  	s18 =	simm.s32 @!p0 $0xB800  }
0xc5: {  	[tilespmem:s18], [sflag:$0x3] =	stream.indirect_vreg.gather @!p0 [hbm4b:s9+s17], $0x80, v2, vm1, $0xb8;
	[tilespmem:$0x11000] =	vst v63  }
0xc6: {  	s18 =	simm.s32 @!p0 $0xC000  }
0xc7: {  	[tilespmem:s18], [sflag:$0x3] =	stream.indirect_vreg.gather @!p0 [hbm4b:s10+s17], $0x80, v2, vm1, $0xb8;
	[tilespmem:$0x11000] =	vst v63  }
0xc8: {  	s15 =	sadd.s32 $0x2000, s15;
	s18 =	simm.s32 @!p0 $0xC800  }
0xc9: {  	[tilespmem:s18], [sflag:$0x3] =	stream.indirect_vreg.gather @!p0 [hbm4b:s11+s17], $0x80, v2, vm1, $0xb8;
	[tilespmem:$0x11000] =	vst v63  }
0xca: {  	p0 =	sne.s32 s15, $0x10000  }
.Ltmp0:
0xcb: {  	_ = 	snop;
	(pc) =	sbr.rel @p0 .LBB2_2-.Ltmp0, $4  }
0xcc: {  	_ =	swait.ge [sflag:s29], $0x4000  }
0xcd: {  	[sflag:s29] =	ssyncset.done $0x0  }
0xce: {  	s16 =	sadd.s32 $0x1800, s16;
	s2 =	sadd.s32 $0x200, s2;
	[sflag:s29] =	ssyncadd.s32 $0xFFFFC000  }
0xcf: {  	[hbm4b:s16+s3] =	stream.linear.scatter [tilespmem:s20], [sflag:$0x8], $0x4000, $0x38;
	[tilespmem:$0x11000] =	vst v63  }
0xd0: {  	s0 =	sadd.s32 $0x1, s0  }
0xd1: {  	p0 =	sne.s32 s0, s12  }
.Ltmp1:
0xd2: {  	_ = 	snop;
	(pc) =	sbr.rel @p0 .LBB2_1-.Ltmp1, $4  }
0xd3: {  	_ = 	snop  }
0xd4: {  	_ =	swait.ge [sflag:s30], $0x4000  }
0xd5: {  	[sflag:s30] =	ssyncset.done $0x0  }
0xd6: {  	[sflag:s30] =	ssyncadd.s32 $0xFFFFC000  }
0xd7: {  	_ =	sfence.sel $0x180000  }
0xd8: {  	[bflag:$0x0] =	sbarrier.arrive $0xFFFF  }
0xd9: {  	_ =	strace $0x90000047  }
0xda: {  	s0 =	stileid.u32;
	[bflag:$0x2] =	sbarrier.arrive $0xFFFF  }
0xdb: {  	p0 =	sne.s32 s0, $0x0;
	s0 =	rddreg [dreg:$0x3]  }
0xdc: {  	s0 =	sadd.s32 @!p0 $0x100000, s0  }
0xdd: {  	[sflag:s0] =	ssyncadd.tile.s32 @!p0 $0x1;
	_ =	shalt  }
.Lfunc_end2:
_tile_overlayer_lowered:
.L_overlay_start_2:
0xde: {  	(tag) =	ssettag $0x2  }
0xdf: {  	s0 =	rddreg [dreg:$0x0];
	s2 =	stileid.u32  }
0xe0: {  	s1 =	rddreg [dreg:$0x1];
	p0 =	sne.s32 s2, $0x0  }
0xe1: {  	s3 =	rddreg [dreg:$0x2];
	[bflag:$0x3] =	sbarrier.arrive $0xFFFF;
	s2 =	simm.s32 @!p0 $0x1C09  }
0xe2: {  	[timem:s3], [sflag:s2] =	dma.local @!p0 [hbm:s0], s1  }
0xe3: {  	s0 =	simm.s32 @!p0 $0x9  }
0xe4: {  	_ =	swait.ge @!p0 [sflag:s0], s1  }
0xe5: {  	s1 =	ssub.s32 @!p0 $0x0, s1;
	[sflag:s0] =	ssyncset.done @!p0 $0x0  }
0xe6: {  	[sflag:s0] =	ssyncadd.s32 @!p0 s1  }
0xe7: {  	[bflag:$0x3] =	sbarrier.arrive $0xFFFF  }
0xe8: {  	_ =	shalt  }

</sc_bundles>
